<compile_context>
chip_gen: v7x
topology: tpu7x:2x2x1
jax: 0.10.2.dev20260603
libtpu: 0.0.44.dev20260713+nightly
codegen_flags: <defaults>
</compile_context>

<pallas_src>
import functools

import jax
import jax.numpy as jnp
from jax import lax
from jax.experimental import pallas as pl
from jax.experimental.pallas import tpu as pltpu
from jax.experimental.pallas import tpu_sc as plsc

N = 10000
E = 320000
H = 128
IN_DIM = 128
NL = 4

NC = 2
NS = 16
NW = NC * NS

CHUNK = 128
NCH = 79
EW = NCH * CHUNK
EPAD = NW * EW
NPAD = 10112
RPT = NPAD // NS
DEGW = 128

_PREC = jax.lax.Precision.DEFAULT

_mesh = plsc.VectorSubcoreMesh(core_axis_name="c", subcore_axis_name="s")


@functools.partial(
    pl.kernel,
    out_type=(
        jax.ShapeDtypeStruct((NC, NPAD, DEGW), jnp.float32),
        jax.ShapeDtypeStruct((NC, NPAD, DEGW), jnp.float32),
    ),
    mesh=_mesh,
    scratch_types=[
        pltpu.VMEM((NCH, CHUNK), jnp.int32),
        pltpu.VMEM((CHUNK, DEGW), jnp.float32),
        pltpu.VMEM_SHARED((NPAD, DEGW), jnp.float32),
    ],
)
def _sc_degree(src_hbm, dst_hbm, ones_hbm, zeros_hbm, do_out, di_out,
               idx, ones_v, deg_sh):
    cid = lax.axis_index("c")
    sid = lax.axis_index("s")
    wid = cid * NS + sid
    pltpu.sync_copy(ones_hbm, ones_v)
    for edges_hbm, out_hbm in ((src_hbm, do_out), (dst_hbm, di_out)):
        pltpu.sync_copy(zeros_hbm.at[pl.ds(sid * RPT, RPT)],
                        deg_sh.at[pl.ds(sid * RPT, RPT)])
        pltpu.sync_copy(edges_hbm.at[wid], idx)
        plsc.subcore_barrier()

        def body(j, c):
            pltpu.sync_copy(ones_v, deg_sh.at[idx.at[j]], add=True)
            return c

        lax.fori_loop(0, NCH, body, 0)
        plsc.subcore_barrier()
        pltpu.sync_copy(deg_sh.at[pl.ds(sid * RPT, RPT)],
                        out_hbm.at[cid].at[pl.ds(sid * RPT, RPT)])


@functools.partial(
    pl.kernel,
    out_type=jax.ShapeDtypeStruct((NC, NPAD, H), jnp.float32),
    mesh=_mesh,
    scratch_types=[
        pltpu.VMEM((CHUNK,), jnp.int32),
        pltpu.VMEM((CHUNK,), jnp.int32),
        pltpu.VMEM((CHUNK, H), jnp.float32),
        pltpu.VMEM_SHARED((NPAD, H), jnp.float32),
        pltpu.SemaphoreType.DMA,
    ],
)
def _sc_agg(xs_hbm, src_hbm, dst_hbm, zeros_hbm, out_hbm,
            sidx, didx, rows, agg_sh, sem):
    cid = lax.axis_index("c")
    sid = lax.axis_index("s")
    wid = cid * NS + sid
    pltpu.sync_copy(zeros_hbm.at[pl.ds(sid * RPT, RPT)],
                    agg_sh.at[pl.ds(sid * RPT, RPT)])
    plsc.subcore_barrier()
    base = wid * EW

    def body(j, c):
        off = base + j * CHUNK
        pltpu.sync_copy(src_hbm.at[pl.ds(off, CHUNK)], sidx)
        pltpu.sync_copy(dst_hbm.at[pl.ds(off, CHUNK)], didx)
        pltpu.async_copy(xs_hbm.at[sidx], rows, sem).wait()
        pltpu.sync_copy(rows, agg_sh.at[didx], add=True)
        return c

    lax.fori_loop(0, NCH, body, 0)
    plsc.subcore_barrier()
    pltpu.sync_copy(agg_sh.at[pl.ds(sid * RPT, RPT)],
                    out_hbm.at[cid].at[pl.ds(sid * RPT, RPT)])


_PB = 2000


def _prep_body(do_ref, di_ref, h_ref, emb_ref, ns_ref, nd_ref, x_ref):
    dout = do_ref[0, :, 0:1] + do_ref[1, :, 0:1]
    din = di_ref[0, :, 0:1] + di_ref[1, :, 0:1]
    ns_ref[...] = jnp.where(dout > 0.0, lax.rsqrt(jnp.maximum(dout, 1.0)), 0.0)
    nd_ref[...] = jnp.where(din > 0.0, lax.rsqrt(jnp.maximum(din, 1.0)), 0.0)
    iota = lax.broadcasted_iota(jnp.int32, (_PB, IN_DIM), 1)
    onehot = jnp.where(iota == h_ref[...], 1.0, 0.0).astype(jnp.float32)
    x_ref[...] = jnp.dot(onehot, emb_ref[...], precision=_PREC,
                         preferred_element_type=jnp.float32)


def _tc_prep(dop, dip, h2, emb):
    return pl.pallas_call(
        _prep_body,
        grid=(N // _PB,),
        in_specs=[
            pl.BlockSpec((NC, _PB, DEGW), lambda i: (0, i, 0)),
            pl.BlockSpec((NC, _PB, DEGW), lambda i: (0, i, 0)),
            pl.BlockSpec((_PB, 1), lambda i: (i, 0)),
            pl.BlockSpec((IN_DIM, H), lambda i: (0, 0)),
        ],
        out_specs=(
            pl.BlockSpec((_PB, 1), lambda i: (i, 0)),
            pl.BlockSpec((_PB, 1), lambda i: (i, 0)),
            pl.BlockSpec((_PB, H), lambda i: (i, 0)),
        ),
        out_shape=(
            jax.ShapeDtypeStruct((N, 1), jnp.float32),
            jax.ShapeDtypeStruct((N, 1), jnp.float32),
            jax.ShapeDtypeStruct((N, H), jnp.float32),
        ),
    )(dop, dip, h2, emb)


def _pre_body(x_ref, w_ref, ns_ref, out_ref):
    xs = jnp.dot(x_ref[...], w_ref[...], precision=_PREC,
                 preferred_element_type=jnp.float32) * ns_ref[...]
    out_ref[:N, :] = xs
    out_ref[N:, :] = jnp.zeros((NPAD - N, H), jnp.float32)


def _tc_pre(x, w, ns):
    return pl.pallas_call(
        _pre_body,
        out_shape=jax.ShapeDtypeStruct((NPAD, H), jnp.float32),
    )(x, w, ns)


def _post_body(x_ref, parts_ref, nd_ref, b_ref, g_ref, bt_ref, out_ref):
    agg = parts_ref[0, :N, :] + parts_ref[1, :N, :]
    hgc = agg * nd_ref[...] + b_ref[...]
    mu = jnp.mean(hgc, axis=0, keepdims=True)
    var = jnp.mean((hgc - mu) ** 2, axis=0, keepdims=True)
    hbn = (hgc - mu) * lax.rsqrt(var + 1e-5) * g_ref[...] + bt_ref[...]
    out_ref[...] = x_ref[...] + jnp.maximum(hbn, 0.0)


def _tc_post(x, parts, nd, b, g, bt):
    return pl.pallas_call(
        _post_body,
        out_shape=jax.ShapeDtypeStruct((N, H), jnp.float32),
    )(x, parts, nd, b, g, bt)


def _mlp_body(x_ref, w0_ref, b0_ref, w1_ref, b1_ref, w2_ref, b2_ref, y_ref):
    y = jnp.dot(x_ref[...], w0_ref[...], precision=_PREC,
                preferred_element_type=jnp.float32) + b0_ref[...]
    y = jnp.maximum(y, 0.0)
    y = jnp.dot(y, w1_ref[...], precision=_PREC,
                preferred_element_type=jnp.float32) + b1_ref[...]
    y = jnp.maximum(y, 0.0)
    y_ref[...] = jnp.dot(y, w2_ref[...], precision=_PREC,
                         preferred_element_type=jnp.float32) + b2_ref[...]


def _tc_mlp(x, w0, b0, w1, b1, w2, b2):
    return pl.pallas_call(
        _mlp_body,
        out_shape=jax.ShapeDtypeStruct((N, 1), jnp.float32),
    )(x, w0, b0, w1, b1, w2, b2)


def kernel(edge_index, h, e, emb, Ws, bs, gammas, betas, W0, b0, W1, b1, W2, b2):
    del e
    pad = jnp.full((EPAD - E,), N, jnp.int32)
    src_p = jnp.concatenate([edge_index[0], pad])
    dst_p = jnp.concatenate([edge_index[1], pad])

    ones_chunk = jnp.ones((CHUNK, DEGW), jnp.float32)
    zeros_deg = jnp.zeros((NPAD, DEGW), jnp.float32)
    zeros_big = jnp.zeros((NPAD, H), jnp.float32)

    dop, dip = _sc_degree(src_p.reshape(NW, NCH, CHUNK),
                          dst_p.reshape(NW, NCH, CHUNK), ones_chunk, zeros_deg)
    ns, nd, x = _tc_prep(dop, dip, h.reshape(N, 1), emb)

    for i in range(NL):
        xsp = _tc_pre(x, Ws[i], ns)
        parts = _sc_agg(xsp, src_p, dst_p, zeros_big)
        x = _tc_post(x, parts, nd, bs[i].reshape(1, H),
                     gammas[i].reshape(1, H), betas[i].reshape(1, H))

    return _tc_mlp(x, W0, b0.reshape(1, H // 2), W1, b1.reshape(1, H // 4),
                   W2, b2.reshape(1, 1))

# --- scband reference (transcript-rebuilt; emitter-appended) ---
"""Pipeline reference for scband-gcnnet-50869592655428 (READ-ONLY COPY).

The authoritative reference and input builder live on the scoring server;
editing this copy changes nothing except your own understanding.
"""

import jax, jax.numpy as jnp
import numpy as np

N_NODES = 10000
N_EDGES = 320000
HIDDEN = 128
IN_DIM = 128
N_LAYERS = 4


def _gcn_layer(x, src, dst, W, b, gamma, beta):
    N = x.shape[0]
    deg_out = jnp.zeros((N,), jnp.float32).at[src].add(1.0)
    deg_in = jnp.zeros((N,), jnp.float32).at[dst].add(1.0)
    ns = jnp.where(deg_out > 0, jax.lax.rsqrt(jnp.maximum(deg_out, 1.0)), 0.0)
    nd = jnp.where(deg_in > 0, jax.lax.rsqrt(jnp.maximum(deg_in, 1.0)), 0.0)
    xw = x @ W
    m = (xw * ns[:, None])[src]
    agg = jnp.zeros_like(xw).at[dst].add(m)
    hgc = agg * nd[:, None] + b
    mu = hgc.mean(axis=0)
    var = hgc.var(axis=0)
    hbn = (hgc - mu) * jax.lax.rsqrt(var + 1e-5) * gamma + beta
    hact = jax.nn.relu(hbn)
    return x + hact


def setup_inputs(seed: int = 0):
    key = jax.random.key(seed)
    ks = jax.random.split(key, 12)
    edge_index = jax.random.randint(ks[0], (2, N_EDGES), 0, N_NODES, dtype=jnp.int32)
    h = jax.random.randint(ks[1], (N_NODES,), 0, IN_DIM, dtype=jnp.int32)
    e = jax.random.normal(ks[2], (N_EDGES, 4), dtype=jnp.float32)
    emb = jax.random.normal(ks[3], (IN_DIM, HIDDEN), dtype=jnp.float32) * 0.05
    Ws = jax.random.normal(ks[4], (N_LAYERS, HIDDEN, HIDDEN), dtype=jnp.float32) * (1.0 / np.sqrt(HIDDEN))
    bs = jnp.zeros((N_LAYERS, HIDDEN), jnp.float32)
    gammas = jnp.ones((N_LAYERS, HIDDEN), jnp.float32)
    betas = jnp.zeros((N_LAYERS, HIDDEN), jnp.float32)
    W0 = jax.random.normal(ks[5], (HIDDEN, HIDDEN // 2), dtype=jnp.float32) * (1.0 / np.sqrt(HIDDEN))
    b0 = jnp.zeros((HIDDEN // 2,), jnp.float32)
    W1 = jax.random.normal(ks[6], (HIDDEN // 2, HIDDEN // 4), dtype=jnp.float32) * (1.0 / np.sqrt(HIDDEN // 2))
    b1 = jnp.zeros((HIDDEN // 4,), jnp.float32)
    W2 = jax.random.normal(ks[7], (HIDDEN // 4, 1), dtype=jnp.float32) * (1.0 / np.sqrt(HIDDEN // 4))
    b2 = jnp.zeros((1,), jnp.float32)
    return {"edge_index": edge_index, "h": h, "e": e, "emb": emb, "Ws": Ws, "bs": bs, "gammas": gammas, "betas": betas, "W0": W0, "b0": b0, "W1": W1, "b1": b1, "W2": W2, "b2": b2}


def reference(edge_index, h, e, emb, Ws, bs, gammas, betas, W0, b0, W1, b1, W2, b2):
    src = edge_index[0]
    dst = edge_index[1]
    x = emb[h]
    for i in range(N_LAYERS):
        x = _gcn_layer(x, src, dst, Ws[i], bs[i], gammas[i], betas[i])
    y = jax.nn.relu(x @ W0 + b0)
    y = jax.nn.relu(y @ W1 + b1)
    y = y @ W2 + b2
    return y

if __name__ == "__main__":
    import jax
    _d = setup_inputs()
    print(jax.jit(kernel)(*tuple(_d.values())))

</pallas_src>

<mosaic_0001>
#map = affine_map<(d0, d1) -> (0, 0)>
#map1 = affine_map<(d0, d1) -> (0)>
#map2 = affine_map<(d0, d1) -> (0, 0, 0)>
module attributes {stable_mosaic.version = 14 : i64} {
  func.func @_sc_agg(%arg0: i32, %arg1: i32, %arg2: memref<10112x128xf32, #tpu.memory_space<hbm>>, %arg3: memref<323584xi32, #tpu.memory_space<hbm>>, %arg4: memref<323584xi32, #tpu.memory_space<hbm>>, %arg5: memref<10112x128xf32, #tpu.memory_space<hbm>>, %arg6: memref<2x10112x128xf32, #tpu.memory_space<hbm>>, %arg7: memref<128xi32, #tpu.memory_space<vmem>>, %arg8: memref<128xi32, #tpu.memory_space<vmem>>, %arg9: memref<128x128xf32, #tpu.memory_space<vmem>>, %arg10: memref<10112x128xf32, #tpu.memory_space<vmem_shared>>, %arg11: memref<!tpu.dma_semaphore, #tpu.memory_space<semaphore_mem>>) attributes {dimension_semantics = [#tpu.dimension_semantics<core_parallel>, #tpu.dimension_semantics<subcore_parallel>], iteration_bounds = array<i64: 2, 16>, scalar_prefetch = 0 : i64, scratch_operands = 5 : i64, tpu.core_type = #tpu.core_type<sc_vector_subcore>, window_params = [{transform_indices = #map}, {transform_indices = #map1}, {transform_indices = #map1}, {transform_indices = #map}, {transform_indices = #map2}]} {
    %mul3A = arith.constant 16 : i32
    %mul3A_0 = arith.muli %arg0, %mul3A : i32
    %add3A = arith.addi %mul3A_0, %arg1 : i32
    %mul3A_1 = arith.constant 632 : i32
    %mul3A_2 = arith.muli %arg1, %mul3A_1 : i32
    %mul3A_3 = arith.constant 632 : i32
    %mul3A_4 = arith.muli %arg1, %mul3A_3 : i32
    "tpu.region"() ({
      %run_scoped3A = tpu.sem_alloc : memref<!tpu.dma_semaphore, #tpu.memory_space<semaphore_mem>>
      %dma_start3A = arith.constant 0 : i32
      %dma_start3A_17 = tpu.memref_slice %arg10[%mul3A_4, %dma_start3A] : memref<10112x128xf32, #tpu.memory_space<vmem_shared>> -> memref<632x128xf32, #tpu.memory_space<vmem_shared>>
      %dma_start3A_18 = arith.constant 0 : i32
      %dma_start3A_19 = tpu.memref_slice %arg5[%mul3A_2, %dma_start3A_18] : memref<10112x128xf32, #tpu.memory_space<hbm>> -> memref<632x128xf32, #tpu.memory_space<hbm>>
      tpu.enqueue_dma source(%dma_start3A_19 : memref<632x128xf32, #tpu.memory_space<hbm>>) target(%dma_start3A_17 : memref<632x128xf32, #tpu.memory_space<vmem_shared>>) target_semaphore(%run_scoped3A : memref<!tpu.dma_semaphore, #tpu.memory_space<semaphore_mem>>)
      %dma_wait3A = arith.constant 0 : i32
      %dma_wait3A_20 = tpu.memref_slice %arg10[%mul3A_4, %dma_wait3A] : memref<10112x128xf32, #tpu.memory_space<vmem_shared>> -> memref<632x128xf32, #tpu.memory_space<vmem_shared>>
      %dma_wait3A_21 = arith.constant 0 : i32
      %dma_wait3A_22 = tpu.memref_slice %arg5[%mul3A_2, %dma_wait3A_21] : memref<10112x128xf32, #tpu.memory_space<hbm>> -> memref<632x128xf32, #tpu.memory_space<hbm>>
      tpu.wait_dma2 semaphore(%run_scoped3A : memref<!tpu.dma_semaphore, #tpu.memory_space<semaphore_mem>>) src(%dma_wait3A_22 : memref<632x128xf32, #tpu.memory_space<hbm>>) dst(%dma_wait3A_20 : memref<632x128xf32, #tpu.memory_space<vmem_shared>>)
      tpu.yield
    }) : () -> ()
    %barrier3A = arith.constant 0 : index
    tpu.barrier barrier_id(%barrier3A)
    %mul3A_5 = arith.constant 10112 : i32
    %mul3A_6 = arith.muli %add3A, %mul3A_5 : i32
    %scan3A = arith.constant 0 : i32
    %scan3A_7 = arith.constant 0 : i32
    %scan3A_8 = arith.constant 79 : i32
    %scan3A_9 = arith.addi %scan3A_7, %scan3A_8 : i32
    %scan3A_10 = arith.constant 1 : i32
    scf.for %scan3A_17 = %scan3A_7 to %scan3A_9 step %scan3A_10  : i32 {
      %mul3A_18 = arith.constant 128 : i32
      %mul3A_19 = arith.muli %scan3A_17, %mul3A_18 : i32
      %add3A_20 = arith.addi %mul3A_6, %mul3A_19 : i32
      "tpu.region"() ({
        %run_scoped3A = tpu.sem_alloc : memref<!tpu.dma_semaphore, #tpu.memory_space<semaphore_mem>>
        %dma_start3A_25 = tpu.memref_slice %arg3[%add3A_20] : memref<323584xi32, #tpu.memory_space<hbm>> -> memref<128xi32, #tpu.memory_space<hbm>>
        %dma_start3A_26 = tpu.memref_slice %arg3[%add3A_20] : memref<323584xi32, #tpu.memory_space<hbm>> -> memref<128xi32, #tpu.memory_space<hbm>>
        tpu.enqueue_dma source(%dma_start3A_26 : memref<128xi32, #tpu.memory_space<hbm>>) target(%arg7 : memref<128xi32, #tpu.memory_space<vmem>>) target_semaphore(%run_scoped3A : memref<!tpu.dma_semaphore, #tpu.memory_space<semaphore_mem>>)
        %dma_wait3A_27 = tpu.memref_slice %arg3[%add3A_20] : memref<323584xi32, #tpu.memory_space<hbm>> -> memref<128xi32, #tpu.memory_space<hbm>>
        %dma_wait3A_28 = tpu.memref_slice %arg3[%add3A_20] : memref<323584xi32, #tpu.memory_space<hbm>> -> memref<128xi32, #tpu.memory_space<hbm>>
        tpu.wait_dma2 semaphore(%run_scoped3A : memref<!tpu.dma_semaphore, #tpu.memory_space<semaphore_mem>>) src(%dma_wait3A_28 : memref<128xi32, #tpu.memory_space<hbm>>) dst(%arg7 : memref<128xi32, #tpu.memory_space<vmem>>)
        tpu.yield
      }) : () -> ()
      "tpu.region"() ({
        %run_scoped3A = tpu.sem_alloc : memref<!tpu.dma_semaphore, #tpu.memory_space<semaphore_mem>>
        %dma_start3A_25 = tpu.memref_slice %arg4[%add3A_20] : memref<323584xi32, #tpu.memory_space<hbm>> -> memref<128xi32, #tpu.memory_space<hbm>>
        %dma_start3A_26 = tpu.memref_slice %arg4[%add3A_20] : memref<323584xi32, #tpu.memory_space<hbm>> -> memref<128xi32, #tpu.memory_space<hbm>>
        tpu.enqueue_dma source(%dma_start3A_26 : memref<128xi32, #tpu.memory_space<hbm>>) target(%arg8 : memref<128xi32, #tpu.memory_space<vmem>>) target_semaphore(%run_scoped3A : memref<!tpu.dma_semaphore, #tpu.memory_space<semaphore_mem>>)
        %dma_wait3A_27 = tpu.memref_slice %arg4[%add3A_20] : memref<323584xi32, #tpu.memory_space<hbm>> -> memref<128xi32, #tpu.memory_space<hbm>>
        %dma_wait3A_28 = tpu.memref_slice %arg4[%add3A_20] : memref<323584xi32, #tpu.memory_space<hbm>> -> memref<128xi32, #tpu.memory_space<hbm>>
        tpu.wait_dma2 semaphore(%run_scoped3A : memref<!tpu.dma_semaphore, #tpu.memory_space<semaphore_mem>>) src(%dma_wait3A_28 : memref<128xi32, #tpu.memory_space<hbm>>) dst(%arg8 : memref<128xi32, #tpu.memory_space<vmem>>)
        tpu.yield
      }) : () -> ()
      %dma_start3A = arith.constant 0 : i32
      %dma_start3A_21 = arith.constant 0 : i32
      %dma_start3A_22 = tpu.memref_slice %arg2[%dma_start3A, %dma_start3A_21] : memref<10112x128xf32, #tpu.memory_space<hbm>> -> memref<10112x128xf32, #tpu.memory_space<hbm>>
      tpu.enqueue_indirect_dma source(%dma_start3A_22 : memref<10112x128xf32, #tpu.memory_space<hbm>>) target(%arg9 : memref<128x128xf32, #tpu.memory_space<vmem>>) offsets(%arg7 : memref<128xi32, #tpu.memory_space<vmem>>) semaphore(%arg11 : memref<!tpu.dma_semaphore, #tpu.memory_space<semaphore_mem>>)
      %dma_wait3A = arith.constant 0 : i32
      %dma_wait3A_23 = arith.constant 0 : i32
      %dma_wait3A_24 = tpu.memref_slice %arg2[%dma_wait3A, %dma_wait3A_23] : memref<10112x128xf32, #tpu.memory_space<hbm>> -> memref<10112x128xf32, #tpu.memory_space<hbm>>
      tpu.wait_indirect_dma semaphore(%arg11 : memref<!tpu.dma_semaphore, #tpu.memory_space<semaphore_mem>>) src(%dma_wait3A_24 : memref<10112x128xf32, #tpu.memory_space<hbm>>) dst(%arg9 : memref<128x128xf32, #tpu.memory_space<vmem>>)
      "tpu.region"() ({
        %run_scoped3A = tpu.sem_alloc : memref<!tpu.dma_semaphore, #tpu.memory_space<semaphore_mem>>
        %dma_start3A_25 = arith.constant 0 : i32
        %dma_start3A_26 = arith.constant 0 : i32
        %dma_start3A_27 = tpu.memref_slice %arg10[%dma_start3A_25, %dma_start3A_26] : memref<10112x128xf32, #tpu.memory_space<vmem_shared>> -> memref<10112x128xf32, #tpu.memory_space<vmem_shared>>
        tpu.enqueue_indirect_dma source(%arg9 : memref<128x128xf32, #tpu.memory_space<vmem>>) target(%dma_start3A_27 : memref<10112x128xf32, #tpu.memory_space<vmem_shared>>) offsets(%arg8 : memref<128xi32, #tpu.memory_space<vmem>>) semaphore(%run_scoped3A : memref<!tpu.dma_semaphore, #tpu.memory_space<semaphore_mem>>) {add = true}
        %dma_wait3A_28 = arith.constant 0 : i32
        %dma_wait3A_29 = arith.constant 0 : i32
        %dma_wait3A_30 = tpu.memref_slice %arg10[%dma_wait3A_28, %dma_wait3A_29] : memref<10112x128xf32, #tpu.memory_space<vmem_shared>> -> memref<10112x128xf32, #tpu.memory_space<vmem_shared>>
        tpu.wait_indirect_dma semaphore(%run_scoped3A : memref<!tpu.dma_semaphore, #tpu.memory_space<semaphore_mem>>) src(%arg9 : memref<128x128xf32, #tpu.memory_space<vmem>>) dst(%dma_wait3A_30 : memref<10112x128xf32, #tpu.memory_space<vmem_shared>>)
        tpu.yield
      }) : () -> ()
    }
    %scan3A_11 = arith.constant 79 : i32
    %barrier3A_12 = arith.constant 0 : index
    tpu.barrier barrier_id(%barrier3A_12)
    %mul3A_13 = arith.constant 632 : i32
    %mul3A_14 = arith.muli %arg1, %mul3A_13 : i32
    %mul3A_15 = arith.constant 632 : i32
    %mul3A_16 = arith.muli %arg1, %mul3A_15 : i32
    "tpu.region"() ({
      %run_scoped3A = tpu.sem_alloc : memref<!tpu.dma_semaphore, #tpu.memory_space<semaphore_mem>>
      %dma_start3A = arith.constant 0 : i32
      %dma_start3A_17 = arith.constant 0 : i32
      %dma_start3A_18 = tpu.memref_slice %arg6[%arg0, %dma_start3A, %dma_start3A_17] : memref<2x10112x128xf32, #tpu.memory_space<hbm>> -> memref<1x10112x128xf32, #tpu.memory_space<hbm>>
      %dma_start3A_19 = tpu.memref_squeeze %dma_start3A_18 : memref<1x10112x128xf32, #tpu.memory_space<hbm>> -> memref<10112x128xf32, #tpu.memory_space<hbm>>
      %dma_start3A_20 = arith.constant 0 : i32
      %dma_start3A_21 = tpu.memref_slice %dma_start3A_19[%mul3A_16, %dma_start3A_20] : memref<10112x128xf32, #tpu.memory_space<hbm>> -> memref<632x128xf32, #tpu.memory_space<hbm>>
      %dma_start3A_22 = arith.constant 0 : i32
      %dma_start3A_23 = tpu.memref_slice %arg10[%mul3A_14, %dma_start3A_22] : memref<10112x128xf32, #tpu.memory_space<vmem_shared>> -> memref<632x128xf32, #tpu.memory_space<vmem_shared>>
      tpu.enqueue_dma source(%dma_start3A_23 : memref<632x128xf32, #tpu.memory_space<vmem_shared>>) target(%dma_start3A_21 : memref<632x128xf32, #tpu.memory_space<hbm>>) target_semaphore(%run_scoped3A : memref<!tpu.dma_semaphore, #tpu.memory_space<semaphore_mem>>)
      %dma_wait3A = arith.constant 0 : i32
      %dma_wait3A_24 = arith.constant 0 : i32
      %dma_wait3A_25 = tpu.memref_slice %arg6[%arg0, %dma_wait3A, %dma_wait3A_24] : memref<2x10112x128xf32, #tpu.memory_space<hbm>> -> memref<1x10112x128xf32, #tpu.memory_space<hbm>>
      %dma_wait3A_26 = tpu.memref_squeeze %dma_wait3A_25 : memref<1x10112x128xf32, #tpu.memory_space<hbm>> -> memref<10112x128xf32, #tpu.memory_space<hbm>>
      %dma_wait3A_27 = arith.constant 0 : i32
      %dma_wait3A_28 = tpu.memref_slice %dma_wait3A_26[%mul3A_16, %dma_wait3A_27] : memref<10112x128xf32, #tpu.memory_space<hbm>> -> memref<632x128xf32, #tpu.memory_space<hbm>>
      %dma_wait3A_29 = arith.constant 0 : i32
      %dma_wait3A_30 = tpu.memref_slice %arg10[%mul3A_14, %dma_wait3A_29] : memref<10112x128xf32, #tpu.memory_space<vmem_shared>> -> memref<632x128xf32, #tpu.memory_space<vmem_shared>>
      tpu.wait_dma2 semaphore(%run_scoped3A : memref<!tpu.dma_semaphore, #tpu.memory_space<semaphore_mem>>) src(%dma_wait3A_30 : memref<632x128xf32, #tpu.memory_space<vmem_shared>>) dst(%dma_wait3A_28 : memref<632x128xf32, #tpu.memory_space<hbm>>)
      tpu.yield
    }) : () -> ()
    return
  }
}

#map = affine_map<(d0, d1) -> (0, 0, 0)>
#map1 = affine_map<(d0, d1) -> (0, 0)>
module attributes {stable_mosaic.version = 14 : i64} {
  func.func @_sc_degree(%arg0: i32, %arg1: i32, %arg2: memref<32x79x128xi32, #tpu.memory_space<hbm>>, %arg3: memref<32x79x128xi32, #tpu.memory_space<hbm>>, %arg4: memref<128x128xf32, #tpu.memory_space<hbm>>, %arg5: memref<10112x128xf32, #tpu.memory_space<hbm>>, %arg6: memref<2x10112x128xf32, #tpu.memory_space<hbm>>, %arg7: memref<2x10112x128xf32, #tpu.memory_space<hbm>>, %arg8: memref<79x128xi32, #tpu.memory_space<vmem>>, %arg9: memref<128x128xf32, #tpu.memory_space<vmem>>, %arg10: memref<10112x128xf32, #tpu.memory_space<vmem_shared>>) attributes {dimension_semantics = [#tpu.dimension_semantics<core_parallel>, #tpu.dimension_semantics<subcore_parallel>], iteration_bounds = array<i64: 2, 16>, scalar_prefetch = 0 : i64, scratch_operands = 3 : i64, tpu.core_type = #tpu.core_type<sc_vector_subcore>, window_params = [{transform_indices = #map}, {transform_indices = #map}, {transform_indices = #map1}, {transform_indices = #map1}, {transform_indices = #map}, {transform_indices = #map}]} {
    %mul3A = arith.constant 16 : i32
    %mul3A_0 = arith.muli %arg0, %mul3A : i32
    %add3A = arith.addi %mul3A_0, %arg1 : i32
    "tpu.region"() ({
      %run_scoped3A = tpu.sem_alloc : memref<!tpu.dma_semaphore, #tpu.memory_space<semaphore_mem>>
      tpu.enqueue_dma source(%arg4 : memref<128x128xf32, #tpu.memory_space<hbm>>) target(%arg9 : memref<128x128xf32, #tpu.memory_space<vmem>>) target_semaphore(%run_scoped3A : memref<!tpu.dma_semaphore, #tpu.memory_space<semaphore_mem>>)
      tpu.wait_dma2 semaphore(%run_scoped3A : memref<!tpu.dma_semaphore, #tpu.memory_space<semaphore_mem>>) src(%arg4 : memref<128x128xf32, #tpu.memory_space<hbm>>) dst(%arg9 : memref<128x128xf32, #tpu.memory_space<vmem>>)
      tpu.yield
    }) : () -> ()
    %mul3A_1 = arith.constant 632 : i32
    %mul3A_2 = arith.muli %arg1, %mul3A_1 : i32
    %mul3A_3 = arith.constant 632 : i32
    %mul3A_4 = arith.muli %arg1, %mul3A_3 : i32
    "tpu.region"() ({
      %run_scoped3A = tpu.sem_alloc : memref<!tpu.dma_semaphore, #tpu.memory_space<semaphore_mem>>
      %dma_start3A = arith.constant 0 : i32
      %dma_start3A_31 = tpu.memref_slice %arg10[%mul3A_4, %dma_start3A] : memref<10112x128xf32, #tpu.memory_space<vmem_shared>> -> memref<632x128xf32, #tpu.memory_space<vmem_shared>>
      %dma_start3A_32 = arith.constant 0 : i32
      %dma_start3A_33 = tpu.memref_slice %arg5[%mul3A_2, %dma_start3A_32] : memref<10112x128xf32, #tpu.memory_space<hbm>> -> memref<632x128xf32, #tpu.memory_space<hbm>>
      tpu.enqueue_dma source(%dma_start3A_33 : memref<632x128xf32, #tpu.memory_space<hbm>>) target(%dma_start3A_31 : memref<632x128xf32, #tpu.memory_space<vmem_shared>>) target_semaphore(%run_scoped3A : memref<!tpu.dma_semaphore, #tpu.memory_space<semaphore_mem>>)
      %dma_wait3A = arith.constant 0 : i32
      %dma_wait3A_34 = tpu.memref_slice %arg10[%mul3A_4, %dma_wait3A] : memref<10112x128xf32, #tpu.memory_space<vmem_shared>> -> memref<632x128xf32, #tpu.memory_space<vmem_shared>>
      %dma_wait3A_35 = arith.constant 0 : i32
      %dma_wait3A_36 = tpu.memref_slice %arg5[%mul3A_2, %dma_wait3A_35] : memref<10112x128xf32, #tpu.memory_space<hbm>> -> memref<632x128xf32, #tpu.memory_space<hbm>>
      tpu.wait_dma2 semaphore(%run_scoped3A : memref<!tpu.dma_semaphore, #tpu.memory_space<semaphore_mem>>) src(%dma_wait3A_36 : memref<632x128xf32, #tpu.memory_space<hbm>>) dst(%dma_wait3A_34 : memref<632x128xf32, #tpu.memory_space<vmem_shared>>)
      tpu.yield
    }) : () -> ()
    "tpu.region"() ({
      %run_scoped3A = tpu.sem_alloc : memref<!tpu.dma_semaphore, #tpu.memory_space<semaphore_mem>>
      %dma_start3A = arith.constant 0 : i32
      %dma_start3A_31 = arith.constant 0 : i32
      %dma_start3A_32 = tpu.memref_slice %arg2[%add3A, %dma_start3A, %dma_start3A_31] : memref<32x79x128xi32, #tpu.memory_space<hbm>> -> memref<1x79x128xi32, #tpu.memory_space<hbm>>
      %dma_start3A_33 = tpu.memref_squeeze %dma_start3A_32 : memref<1x79x128xi32, #tpu.memory_space<hbm>> -> memref<79x128xi32, #tpu.memory_space<hbm>>
      %dma_start3A_34 = arith.constant 0 : i32
      %dma_start3A_35 = arith.constant 0 : i32
      %dma_start3A_36 = tpu.memref_slice %arg2[%add3A, %dma_start3A_34, %dma_start3A_35] : memref<32x79x128xi32, #tpu.memory_space<hbm>> -> memref<1x79x128xi32, #tpu.memory_space<hbm>>
      %dma_start3A_37 = tpu.memref_squeeze %dma_start3A_36 : memref<1x79x128xi32, #tpu.memory_space<hbm>> -> memref<79x128xi32, #tpu.memory_space<hbm>>
      tpu.enqueue_dma source(%dma_start3A_37 : memref<79x128xi32, #tpu.memory_space<hbm>>) target(%arg8 : memref<79x128xi32, #tpu.memory_space<vmem>>) target_semaphore(%run_scoped3A : memref<!tpu.dma_semaphore, #tpu.memory_space<semaphore_mem>>)
      %dma_wait3A = arith.constant 0 : i32
      %dma_wait3A_38 = arith.constant 0 : i32
      %dma_wait3A_39 = tpu.memref_slice %arg2[%add3A, %dma_wait3A, %dma_wait3A_38] : memref<32x79x128xi32, #tpu.memory_space<hbm>> -> memref<1x79x128xi32, #tpu.memory_space<hbm>>
      %dma_wait3A_40 = tpu.memref_squeeze %dma_wait3A_39 : memref<1x79x128xi32, #tpu.memory_space<hbm>> -> memref<79x128xi32, #tpu.memory_space<hbm>>
      %dma_wait3A_41 = arith.constant 0 : i32
      %dma_wait3A_42 = arith.constant 0 : i32
      %dma_wait3A_43 = tpu.memref_slice %arg2[%add3A, %dma_wait3A_41, %dma_wait3A_42] : memref<32x79x128xi32, #tpu.memory_space<hbm>> -> memref<1x79x128xi32, #tpu.memory_space<hbm>>
      %dma_wait3A_44 = tpu.memref_squeeze %dma_wait3A_43 : memref<1x79x128xi32, #tpu.memory_space<hbm>> -> memref<79x128xi32, #tpu.memory_space<hbm>>
      tpu.wait_dma2 semaphore(%run_scoped3A : memref<!tpu.dma_semaphore, #tpu.memory_space<semaphore_mem>>) src(%dma_wait3A_44 : memref<79x128xi32, #tpu.memory_space<hbm>>) dst(%arg8 : memref<79x128xi32, #tpu.memory_space<vmem>>)
      tpu.yield
    }) : () -> ()
    %barrier3A = arith.constant 0 : index
    tpu.barrier barrier_id(%barrier3A)
    %scan3A = arith.constant 0 : i32
    %scan3A_5 = arith.constant 0 : i32
    %scan3A_6 = arith.constant 79 : i32
    %scan3A_7 = arith.addi %scan3A_5, %scan3A_6 : i32
    %scan3A_8 = arith.constant 1 : i32
    scf.for %scan3A_31 = %scan3A_5 to %scan3A_7 step %scan3A_8  : i32 {
      "tpu.region"() ({
        %run_scoped3A = tpu.sem_alloc : memref<!tpu.dma_semaphore, #tpu.memory_space<semaphore_mem>>
        %dma_start3A = arith.constant 0 : i32
        %dma_start3A_32 = tpu.memref_slice %arg8[%scan3A_31, %dma_start3A] : memref<79x128xi32, #tpu.memory_space<vmem>> -> memref<1x128xi32, #tpu.memory_space<vmem>>
        %dma_start3A_33 = tpu.memref_squeeze %dma_start3A_32 : memref<1x128xi32, #tpu.memory_space<vmem>> -> memref<128xi32, #tpu.memory_space<vmem>>
        %dma_start3A_34 = arith.constant 0 : i32
        %dma_start3A_35 = arith.constant 0 : i32
        %dma_start3A_36 = tpu.memref_slice %arg10[%dma_start3A_34, %dma_start3A_35] : memref<10112x128xf32, #tpu.memory_space<vmem_shared>> -> memref<10112x128xf32, #tpu.memory_space<vmem_shared>>
        tpu.enqueue_indirect_dma source(%arg9 : memref<128x128xf32, #tpu.memory_space<vmem>>) target(%dma_start3A_36 : memref<10112x128xf32, #tpu.memory_space<vmem_shared>>) offsets(%dma_start3A_33 : memref<128xi32, #tpu.memory_space<vmem>>) semaphore(%run_scoped3A : memref<!tpu.dma_semaphore, #tpu.memory_space<semaphore_mem>>) {add = true}
        %dma_wait3A = arith.constant 0 : i32
        %dma_wait3A_37 = tpu.memref_slice %arg8[%scan3A_31, %dma_wait3A] : memref<79x128xi32, #tpu.memory_space<vmem>> -> memref<1x128xi32, #tpu.memory_space<vmem>>
        %dma_wait3A_38 = tpu.memref_squeeze %dma_wait3A_37 : memref<1x128xi32, #tpu.memory_space<vmem>> -> memref<128xi32, #tpu.memory_space<vmem>>
        %dma_wait3A_39 = arith.constant 0 : i32
        %dma_wait3A_40 = arith.constant 0 : i32
        %dma_wait3A_41 = tpu.memref_slice %arg10[%dma_wait3A_39, %dma_wait3A_40] : memref<10112x128xf32, #tpu.memory_space<vmem_shared>> -> memref<10112x128xf32, #tpu.memory_space<vmem_shared>>
        tpu.wait_indirect_dma semaphore(%run_scoped3A : memref<!tpu.dma_semaphore, #tpu.memory_space<semaphore_mem>>) src(%arg9 : memref<128x128xf32, #tpu.memory_space<vmem>>) dst(%dma_wait3A_41 : memref<10112x128xf32, #tpu.memory_space<vmem_shared>>)
        tpu.yield
      }) : () -> ()
    }
    %scan3A_9 = arith.constant 79 : i32
    %barrier3A_10 = arith.constant 0 : index
    tpu.barrier barrier_id(%barrier3A_10)
    %mul3A_11 = arith.constant 632 : i32
    %mul3A_12 = arith.muli %arg1, %mul3A_11 : i32
    %mul3A_13 = arith.constant 632 : i32
    %mul3A_14 = arith.muli %arg1, %mul3A_13 : i32
    "tpu.region"() ({
      %run_scoped3A = tpu.sem_alloc : memref<!tpu.dma_semaphore, #tpu.memory_space<semaphore_mem>>
      %dma_start3A = arith.constant 0 : i32
      %dma_start3A_31 = arith.constant 0 : i32
      %dma_start3A_32 = tpu.memref_slice %arg6[%arg0, %dma_start3A, %dma_start3A_31] : memref<2x10112x128xf32, #tpu.memory_space<hbm>> -> memref<1x10112x128xf32, #tpu.memory_space<hbm>>
      %dma_start3A_33 = tpu.memref_squeeze %dma_start3A_32 : memref<1x10112x128xf32, #tpu.memory_space<hbm>> -> memref<10112x128xf32, #tpu.memory_space<hbm>>
      %dma_start3A_34 = arith.constant 0 : i32
      %dma_start3A_35 = tpu.memref_slice %dma_start3A_33[%mul3A_14, %dma_start3A_34] : memref<10112x128xf32, #tpu.memory_space<hbm>> -> memref<632x128xf32, #tpu.memory_space<hbm>>
      %dma_start3A_36 = arith.constant 0 : i32
      %dma_start3A_37 = tpu.memref_slice %arg10[%mul3A_12, %dma_start3A_36] : memref<10112x128xf32, #tpu.memory_space<vmem_shared>> -> memref<632x128xf32, #tpu.memory_space<vmem_shared>>
      tpu.enqueue_dma source(%dma_start3A_37 : memref<632x128xf32, #tpu.memory_space<vmem_shared>>) target(%dma_start3A_35 : memref<632x128xf32, #tpu.memory_space<hbm>>) target_semaphore(%run_scoped3A : memref<!tpu.dma_semaphore, #tpu.memory_space<semaphore_mem>>)
      %dma_wait3A = arith.constant 0 : i32
      %dma_wait3A_38 = arith.constant 0 : i32
      %dma_wait3A_39 = tpu.memref_slice %arg6[%arg0, %dma_wait3A, %dma_wait3A_38] : memref<2x10112x128xf32, #tpu.memory_space<hbm>> -> memref<1x10112x128xf32, #tpu.memory_space<hbm>>
      %dma_wait3A_40 = tpu.memref_squeeze %dma_wait3A_39 : memref<1x10112x128xf32, #tpu.memory_space<hbm>> -> memref<10112x128xf32, #tpu.memory_space<hbm>>
      %dma_wait3A_41 = arith.constant 0 : i32
      %dma_wait3A_42 = tpu.memref_slice %dma_wait3A_40[%mul3A_14, %dma_wait3A_41] : memref<10112x128xf32, #tpu.memory_space<hbm>> -> memref<632x128xf32, #tpu.memory_space<hbm>>
      %dma_wait3A_43 = arith.constant 0 : i32
      %dma_wait3A_44 = tpu.memref_slice %arg10[%mul3A_12, %dma_wait3A_43] : memref<10112x128xf32, #tpu.memory_space<vmem_shared>> -> memref<632x128xf32, #tpu.memory_space<vmem_shared>>
      tpu.wait_dma2 semaphore(%run_scoped3A : memref<!tpu.dma_semaphore, #tpu.memory_space<semaphore_mem>>) src(%dma_wait3A_44 : memref<632x128xf32, #tpu.memory_space<vmem_shared>>) dst(%dma_wait3A_42 : memref<632x128xf32, #tpu.memory_space<hbm>>)
      tpu.yield
    }) : () -> ()
    %mul3A_15 = arith.constant 632 : i32
    %mul3A_16 = arith.muli %arg1, %mul3A_15 : i32
    %mul3A_17 = arith.constant 632 : i32
    %mul3A_18 = arith.muli %arg1, %mul3A_17 : i32
    "tpu.region"() ({
      %run_scoped3A = tpu.sem_alloc : memref<!tpu.dma_semaphore, #tpu.memory_space<semaphore_mem>>
      %dma_start3A = arith.constant 0 : i32
      %dma_start3A_31 = tpu.memref_slice %arg10[%mul3A_18, %dma_start3A] : memref<10112x128xf32, #tpu.memory_space<vmem_shared>> -> memref<632x128xf32, #tpu.memory_space<vmem_shared>>
      %dma_start3A_32 = arith.constant 0 : i32
      %dma_start3A_33 = tpu.memref_slice %arg5[%mul3A_16, %dma_start3A_32] : memref<10112x128xf32, #tpu.memory_space<hbm>> -> memref<632x128xf32, #tpu.memory_space<hbm>>
      tpu.enqueue_dma source(%dma_start3A_33 : memref<632x128xf32, #tpu.memory_space<hbm>>) target(%dma_start3A_31 : memref<632x128xf32, #tpu.memory_space<vmem_shared>>) target_semaphore(%run_scoped3A : memref<!tpu.dma_semaphore, #tpu.memory_space<semaphore_mem>>)
      %dma_wait3A = arith.constant 0 : i32
      %dma_wait3A_34 = tpu.memref_slice %arg10[%mul3A_18, %dma_wait3A] : memref<10112x128xf32, #tpu.memory_space<vmem_shared>> -> memref<632x128xf32, #tpu.memory_space<vmem_shared>>
      %dma_wait3A_35 = arith.constant 0 : i32
      %dma_wait3A_36 = tpu.memref_slice %arg5[%mul3A_16, %dma_wait3A_35] : memref<10112x128xf32, #tpu.memory_space<hbm>> -> memref<632x128xf32, #tpu.memory_space<hbm>>
      tpu.wait_dma2 semaphore(%run_scoped3A : memref<!tpu.dma_semaphore, #tpu.memory_space<semaphore_mem>>) src(%dma_wait3A_36 : memref<632x128xf32, #tpu.memory_space<hbm>>) dst(%dma_wait3A_34 : memref<632x128xf32, #tpu.memory_space<vmem_shared>>)
      tpu.yield
    }) : () -> ()
    "tpu.region"() ({
      %run_scoped3A = tpu.sem_alloc : memref<!tpu.dma_semaphore, #tpu.memory_space<semaphore_mem>>
      %dma_start3A = arith.constant 0 : i32
      %dma_start3A_31 = arith.constant 0 : i32
      %dma_start3A_32 = tpu.memref_slice %arg3[%add3A, %dma_start3A, %dma_start3A_31] : memref<32x79x128xi32, #tpu.memory_space<hbm>> -> memref<1x79x128xi32, #tpu.memory_space<hbm>>
      %dma_start3A_33 = tpu.memref_squeeze %dma_start3A_32 : memref<1x79x128xi32, #tpu.memory_space<hbm>> -> memref<79x128xi32, #tpu.memory_space<hbm>>
      %dma_start3A_34 = arith.constant 0 : i32
      %dma_start3A_35 = arith.constant 0 : i32
      %dma_start3A_36 = tpu.memref_slice %arg3[%add3A, %dma_start3A_34, %dma_start3A_35] : memref<32x79x128xi32, #tpu.memory_space<hbm>> -> memref<1x79x128xi32, #tpu.memory_space<hbm>>
      %dma_start3A_37 = tpu.memref_squeeze %dma_start3A_36 : memref<1x79x128xi32, #tpu.memory_space<hbm>> -> memref<79x128xi32, #tpu.memory_space<hbm>>
      tpu.enqueue_dma source(%dma_start3A_37 : memref<79x128xi32, #tpu.memory_space<hbm>>) target(%arg8 : memref<79x128xi32, #tpu.memory_space<vmem>>) target_semaphore(%run_scoped3A : memref<!tpu.dma_semaphore, #tpu.memory_space<semaphore_mem>>)
      %dma_wait3A = arith.constant 0 : i32
      %dma_wait3A_38 = arith.constant 0 : i32
      %dma_wait3A_39 = tpu.memref_slice %arg3[%add3A, %dma_wait3A, %dma_wait3A_38] : memref<32x79x128xi32, #tpu.memory_space<hbm>> -> memref<1x79x128xi32, #tpu.memory_space<hbm>>
      %dma_wait3A_40 = tpu.memref_squeeze %dma_wait3A_39 : memref<1x79x128xi32, #tpu.memory_space<hbm>> -> memref<79x128xi32, #tpu.memory_space<hbm>>
      %dma_wait3A_41 = arith.constant 0 : i32
      %dma_wait3A_42 = arith.constant 0 : i32
      %dma_wait3A_43 = tpu.memref_slice %arg3[%add3A, %dma_wait3A_41, %dma_wait3A_42] : memref<32x79x128xi32, #tpu.memory_space<hbm>> -> memref<1x79x128xi32, #tpu.memory_space<hbm>>
      %dma_wait3A_44 = tpu.memref_squeeze %dma_wait3A_43 : memref<1x79x128xi32, #tpu.memory_space<hbm>> -> memref<79x128xi32, #tpu.memory_space<hbm>>
      tpu.wait_dma2 semaphore(%run_scoped3A : memref<!tpu.dma_semaphore, #tpu.memory_space<semaphore_mem>>) src(%dma_wait3A_44 : memref<79x128xi32, #tpu.memory_space<hbm>>) dst(%arg8 : memref<79x128xi32, #tpu.memory_space<vmem>>)
      tpu.yield
    }) : () -> ()
    %barrier3A_19 = arith.constant 0 : index
    tpu.barrier barrier_id(%barrier3A_19)
    %scan3A_20 = arith.constant 0 : i32
    %scan3A_21 = arith.constant 0 : i32
    %scan3A_22 = arith.constant 79 : i32
    %scan3A_23 = arith.addi %scan3A_21, %scan3A_22 : i32
    %scan3A_24 = arith.constant 1 : i32
    scf.for %scan3A_31 = %scan3A_21 to %scan3A_23 step %scan3A_24  : i32 {
      "tpu.region"() ({
        %run_scoped3A = tpu.sem_alloc : memref<!tpu.dma_semaphore, #tpu.memory_space<semaphore_mem>>
        %dma_start3A = arith.constant 0 : i32
        %dma_start3A_32 = tpu.memref_slice %arg8[%scan3A_31, %dma_start3A] : memref<79x128xi32, #tpu.memory_space<vmem>> -> memref<1x128xi32, #tpu.memory_space<vmem>>
        %dma_start3A_33 = tpu.memref_squeeze %dma_start3A_32 : memref<1x128xi32, #tpu.memory_space<vmem>> -> memref<128xi32, #tpu.memory_space<vmem>>
        %dma_start3A_34 = arith.constant 0 : i32
        %dma_start3A_35 = arith.constant 0 : i32
        %dma_start3A_36 = tpu.memref_slice %arg10[%dma_start3A_34, %dma_start3A_35] : memref<10112x128xf32, #tpu.memory_space<vmem_shared>> -> memref<10112x128xf32, #tpu.memory_space<vmem_shared>>
        tpu.enqueue_indirect_dma source(%arg9 : memref<128x128xf32, #tpu.memory_space<vmem>>) target(%dma_start3A_36 : memref<10112x128xf32, #tpu.memory_space<vmem_shared>>) offsets(%dma_start3A_33 : memref<128xi32, #tpu.memory_space<vmem>>) semaphore(%run_scoped3A : memref<!tpu.dma_semaphore, #tpu.memory_space<semaphore_mem>>) {add = true}
        %dma_wait3A = arith.constant 0 : i32
        %dma_wait3A_37 = tpu.memref_slice %arg8[%scan3A_31, %dma_wait3A] : memref<79x128xi32, #tpu.memory_space<vmem>> -> memref<1x128xi32, #tpu.memory_space<vmem>>
        %dma_wait3A_38 = tpu.memref_squeeze %dma_wait3A_37 : memref<1x128xi32, #tpu.memory_space<vmem>> -> memref<128xi32, #tpu.memory_space<vmem>>
        %dma_wait3A_39 = arith.constant 0 : i32
        %dma_wait3A_40 = arith.constant 0 : i32
        %dma_wait3A_41 = tpu.memref_slice %arg10[%dma_wait3A_39, %dma_wait3A_40] : memref<10112x128xf32, #tpu.memory_space<vmem_shared>> -> memref<10112x128xf32, #tpu.memory_space<vmem_shared>>
        tpu.wait_indirect_dma semaphore(%run_scoped3A : memref<!tpu.dma_semaphore, #tpu.memory_space<semaphore_mem>>) src(%arg9 : memref<128x128xf32, #tpu.memory_space<vmem>>) dst(%dma_wait3A_41 : memref<10112x128xf32, #tpu.memory_space<vmem_shared>>)
        tpu.yield
      }) : () -> ()
    }
    %scan3A_25 = arith.constant 79 : i32
    %barrier3A_26 = arith.constant 0 : index
    tpu.barrier barrier_id(%barrier3A_26)
    %mul3A_27 = arith.constant 632 : i32
    %mul3A_28 = arith.muli %arg1, %mul3A_27 : i32
    %mul3A_29 = arith.constant 632 : i32
    %mul3A_30 = arith.muli %arg1, %mul3A_29 : i32
    "tpu.region"() ({
      %run_scoped3A = tpu.sem_alloc : memref<!tpu.dma_semaphore, #tpu.memory_space<semaphore_mem>>
      %dma_start3A = arith.constant 0 : i32
      %dma_start3A_31 = arith.constant 0 : i32
      %dma_start3A_32 = tpu.memref_slice %arg7[%arg0, %dma_start3A, %dma_start3A_31] : memref<2x10112x128xf32, #tpu.memory_space<hbm>> -> memref<1x10112x128xf32, #tpu.memory_space<hbm>>
      %dma_start3A_33 = tpu.memref_squeeze %dma_start3A_32 : memref<1x10112x128xf32, #tpu.memory_space<hbm>> -> memref<10112x128xf32, #tpu.memory_space<hbm>>
      %dma_start3A_34 = arith.constant 0 : i32
      %dma_start3A_35 = tpu.memref_slice %dma_start3A_33[%mul3A_30, %dma_start3A_34] : memref<10112x128xf32, #tpu.memory_space<hbm>> -> memref<632x128xf32, #tpu.memory_space<hbm>>
      %dma_start3A_36 = arith.constant 0 : i32
      %dma_start3A_37 = tpu.memref_slice %arg10[%mul3A_28, %dma_start3A_36] : memref<10112x128xf32, #tpu.memory_space<vmem_shared>> -> memref<632x128xf32, #tpu.memory_space<vmem_shared>>
      tpu.enqueue_dma source(%dma_start3A_37 : memref<632x128xf32, #tpu.memory_space<vmem_shared>>) target(%dma_start3A_35 : memref<632x128xf32, #tpu.memory_space<hbm>>) target_semaphore(%run_scoped3A : memref<!tpu.dma_semaphore, #tpu.memory_space<semaphore_mem>>)
      %dma_wait3A = arith.constant 0 : i32
      %dma_wait3A_38 = arith.constant 0 : i32
      %dma_wait3A_39 = tpu.memref_slice %arg7[%arg0, %dma_wait3A, %dma_wait3A_38] : memref<2x10112x128xf32, #tpu.memory_space<hbm>> -> memref<1x10112x128xf32, #tpu.memory_space<hbm>>
      %dma_wait3A_40 = tpu.memref_squeeze %dma_wait3A_39 : memref<1x10112x128xf32, #tpu.memory_space<hbm>> -> memref<10112x128xf32, #tpu.memory_space<hbm>>
      %dma_wait3A_41 = arith.constant 0 : i32
      %dma_wait3A_42 = tpu.memref_slice %dma_wait3A_40[%mul3A_30, %dma_wait3A_41] : memref<10112x128xf32, #tpu.memory_space<hbm>> -> memref<632x128xf32, #tpu.memory_space<hbm>>
      %dma_wait3A_43 = arith.constant 0 : i32
      %dma_wait3A_44 = tpu.memref_slice %arg10[%mul3A_28, %dma_wait3A_43] : memref<10112x128xf32, #tpu.memory_space<vmem_shared>> -> memref<632x128xf32, #tpu.memory_space<vmem_shared>>
      tpu.wait_dma2 semaphore(%run_scoped3A : memref<!tpu.dma_semaphore, #tpu.memory_space<semaphore_mem>>) src(%dma_wait3A_44 : memref<632x128xf32, #tpu.memory_space<vmem_shared>>) dst(%dma_wait3A_42 : memref<632x128xf32, #tpu.memory_space<hbm>>)
      tpu.yield
    }) : () -> ()
    return
  }
}

#map = affine_map<(d0, d1) -> (0, 0)>
#map1 = affine_map<(d0, d1) -> (0)>
#map2 = affine_map<(d0, d1) -> (0, 0, 0)>
module attributes {stable_mosaic.version = 14 : i64} {
  func.func @_sc_agg(%arg0: i32, %arg1: i32, %arg2: memref<10112x128xf32, #tpu.memory_space<hbm>>, %arg3: memref<323584xi32, #tpu.memory_space<hbm>>, %arg4: memref<323584xi32, #tpu.memory_space<hbm>>, %arg5: memref<10112x128xf32, #tpu.memory_space<hbm>>, %arg6: memref<2x10112x128xf32, #tpu.memory_space<hbm>>, %arg7: memref<128xi32, #tpu.memory_space<vmem>>, %arg8: memref<128xi32, #tpu.memory_space<vmem>>, %arg9: memref<128x128xf32, #tpu.memory_space<vmem>>, %arg10: memref<10112x128xf32, #tpu.memory_space<vmem_shared>>, %arg11: memref<!tpu.dma_semaphore, #tpu.memory_space<semaphore_mem>>) attributes {dimension_semantics = [#tpu.dimension_semantics<core_parallel>, #tpu.dimension_semantics<subcore_parallel>], iteration_bounds = array<i64: 2, 16>, scalar_prefetch = 0 : i64, scratch_operands = 5 : i64, tpu.core_type = #tpu.core_type<sc_vector_subcore>, window_params = [{transform_indices = #map}, {transform_indices = #map1}, {transform_indices = #map1}, {transform_indices = #map}, {transform_indices = #map2}]} {
    %mul3A = arith.constant 16 : i32
    %mul3A_0 = arith.muli %arg0, %mul3A : i32
    %add3A = arith.addi %mul3A_0, %arg1 : i32
    %mul3A_1 = arith.constant 632 : i32
    %mul3A_2 = arith.muli %arg1, %mul3A_1 : i32
    %mul3A_3 = arith.constant 632 : i32
    %mul3A_4 = arith.muli %arg1, %mul3A_3 : i32
    "tpu.region"() ({
      %run_scoped3A = tpu.sem_alloc : memref<!tpu.dma_semaphore, #tpu.memory_space<semaphore_mem>>
      %dma_start3A = arith.constant 0 : i32
      %dma_start3A_17 = tpu.memref_slice %arg10[%mul3A_4, %dma_start3A] : memref<10112x128xf32, #tpu.memory_space<vmem_shared>> -> memref<632x128xf32, #tpu.memory_space<vmem_shared>>
      %dma_start3A_18 = arith.constant 0 : i32
      %dma_start3A_19 = tpu.memref_slice %arg5[%mul3A_2, %dma_start3A_18] : memref<10112x128xf32, #tpu.memory_space<hbm>> -> memref<632x128xf32, #tpu.memory_space<hbm>>
      tpu.enqueue_dma source(%dma_start3A_19 : memref<632x128xf32, #tpu.memory_space<hbm>>) target(%dma_start3A_17 : memref<632x128xf32, #tpu.memory_space<vmem_shared>>) target_semaphore(%run_scoped3A : memref<!tpu.dma_semaphore, #tpu.memory_space<semaphore_mem>>)
      %dma_wait3A = arith.constant 0 : i32
      %dma_wait3A_20 = tpu.memref_slice %arg10[%mul3A_4, %dma_wait3A] : memref<10112x128xf32, #tpu.memory_space<vmem_shared>> -> memref<632x128xf32, #tpu.memory_space<vmem_shared>>
      %dma_wait3A_21 = arith.constant 0 : i32
      %dma_wait3A_22 = tpu.memref_slice %arg5[%mul3A_2, %dma_wait3A_21] : memref<10112x128xf32, #tpu.memory_space<hbm>> -> memref<632x128xf32, #tpu.memory_space<hbm>>
      tpu.wait_dma2 semaphore(%run_scoped3A : memref<!tpu.dma_semaphore, #tpu.memory_space<semaphore_mem>>) src(%dma_wait3A_22 : memref<632x128xf32, #tpu.memory_space<hbm>>) dst(%dma_wait3A_20 : memref<632x128xf32, #tpu.memory_space<vmem_shared>>)
      tpu.yield
    }) : () -> ()
    %barrier3A = arith.constant 0 : index
    tpu.barrier barrier_id(%barrier3A)
    %mul3A_5 = arith.constant 10112 : i32
    %mul3A_6 = arith.muli %add3A, %mul3A_5 : i32
    %scan3A = arith.constant 0 : i32
    %scan3A_7 = arith.constant 0 : i32
    %scan3A_8 = arith.constant 79 : i32
    %scan3A_9 = arith.addi %scan3A_7, %scan3A_8 : i32
    %scan3A_10 = arith.constant 1 : i32
    scf.for %scan3A_17 = %scan3A_7 to %scan3A_9 step %scan3A_10  : i32 {
      %mul3A_18 = arith.constant 128 : i32
      %mul3A_19 = arith.muli %scan3A_17, %mul3A_18 : i32
      %add3A_20 = arith.addi %mul3A_6, %mul3A_19 : i32
      "tpu.region"() ({
        %run_scoped3A = tpu.sem_alloc : memref<!tpu.dma_semaphore, #tpu.memory_space<semaphore_mem>>
        %dma_start3A_25 = tpu.memref_slice %arg3[%add3A_20] : memref<323584xi32, #tpu.memory_space<hbm>> -> memref<128xi32, #tpu.memory_space<hbm>>
        %dma_start3A_26 = tpu.memref_slice %arg3[%add3A_20] : memref<323584xi32, #tpu.memory_space<hbm>> -> memref<128xi32, #tpu.memory_space<hbm>>
        tpu.enqueue_dma source(%dma_start3A_26 : memref<128xi32, #tpu.memory_space<hbm>>) target(%arg7 : memref<128xi32, #tpu.memory_space<vmem>>) target_semaphore(%run_scoped3A : memref<!tpu.dma_semaphore, #tpu.memory_space<semaphore_mem>>)
        %dma_wait3A_27 = tpu.memref_slice %arg3[%add3A_20] : memref<323584xi32, #tpu.memory_space<hbm>> -> memref<128xi32, #tpu.memory_space<hbm>>
        %dma_wait3A_28 = tpu.memref_slice %arg3[%add3A_20] : memref<323584xi32, #tpu.memory_space<hbm>> -> memref<128xi32, #tpu.memory_space<hbm>>
        tpu.wait_dma2 semaphore(%run_scoped3A : memref<!tpu.dma_semaphore, #tpu.memory_space<semaphore_mem>>) src(%dma_wait3A_28 : memref<128xi32, #tpu.memory_space<hbm>>) dst(%arg7 : memref<128xi32, #tpu.memory_space<vmem>>)
        tpu.yield
      }) : () -> ()
      "tpu.region"() ({
        %run_scoped3A = tpu.sem_alloc : memref<!tpu.dma_semaphore, #tpu.memory_space<semaphore_mem>>
        %dma_start3A_25 = tpu.memref_slice %arg4[%add3A_20] : memref<323584xi32, #tpu.memory_space<hbm>> -> memref<128xi32, #tpu.memory_space<hbm>>
        %dma_start3A_26 = tpu.memref_slice %arg4[%add3A_20] : memref<323584xi32, #tpu.memory_space<hbm>> -> memref<128xi32, #tpu.memory_space<hbm>>
        tpu.enqueue_dma source(%dma_start3A_26 : memref<128xi32, #tpu.memory_space<hbm>>) target(%arg8 : memref<128xi32, #tpu.memory_space<vmem>>) target_semaphore(%run_scoped3A : memref<!tpu.dma_semaphore, #tpu.memory_space<semaphore_mem>>)
        %dma_wait3A_27 = tpu.memref_slice %arg4[%add3A_20] : memref<323584xi32, #tpu.memory_space<hbm>> -> memref<128xi32, #tpu.memory_space<hbm>>
        %dma_wait3A_28 = tpu.memref_slice %arg4[%add3A_20] : memref<323584xi32, #tpu.memory_space<hbm>> -> memref<128xi32, #tpu.memory_space<hbm>>
        tpu.wait_dma2 semaphore(%run_scoped3A : memref<!tpu.dma_semaphore, #tpu.memory_space<semaphore_mem>>) src(%dma_wait3A_28 : memref<128xi32, #tpu.memory_space<hbm>>) dst(%arg8 : memref<128xi32, #tpu.memory_space<vmem>>)
        tpu.yield
      }) : () -> ()
      %dma_start3A = arith.constant 0 : i32
      %dma_start3A_21 = arith.constant 0 : i32
      %dma_start3A_22 = tpu.memref_slice %arg2[%dma_start3A, %dma_start3A_21] : memref<10112x128xf32, #tpu.memory_space<hbm>> -> memref<10112x128xf32, #tpu.memory_space<hbm>>
      tpu.enqueue_indirect_dma source(%dma_start3A_22 : memref<10112x128xf32, #tpu.memory_space<hbm>>) target(%arg9 : memref<128x128xf32, #tpu.memory_space<vmem>>) offsets(%arg7 : memref<128xi32, #tpu.memory_space<vmem>>) semaphore(%arg11 : memref<!tpu.dma_semaphore, #tpu.memory_space<semaphore_mem>>)
      %dma_wait3A = arith.constant 0 : i32
      %dma_wait3A_23 = arith.constant 0 : i32
      %dma_wait3A_24 = tpu.memref_slice %arg2[%dma_wait3A, %dma_wait3A_23] : memref<10112x128xf32, #tpu.memory_space<hbm>> -> memref<10112x128xf32, #tpu.memory_space<hbm>>
      tpu.wait_indirect_dma semaphore(%arg11 : memref<!tpu.dma_semaphore, #tpu.memory_space<semaphore_mem>>) src(%dma_wait3A_24 : memref<10112x128xf32, #tpu.memory_space<hbm>>) dst(%arg9 : memref<128x128xf32, #tpu.memory_space<vmem>>)
      "tpu.region"() ({
        %run_scoped3A = tpu.sem_alloc : memref<!tpu.dma_semaphore, #tpu.memory_space<semaphore_mem>>
        %dma_start3A_25 = arith.constant 0 : i32
        %dma_start3A_26 = arith.constant 0 : i32
        %dma_start3A_27 = tpu.memref_slice %arg10[%dma_start3A_25, %dma_start3A_26] : memref<10112x128xf32, #tpu.memory_space<vmem_shared>> -> memref<10112x128xf32, #tpu.memory_space<vmem_shared>>
        tpu.enqueue_indirect_dma source(%arg9 : memref<128x128xf32, #tpu.memory_space<vmem>>) target(%dma_start3A_27 : memref<10112x128xf32, #tpu.memory_space<vmem_shared>>) offsets(%arg8 : memref<128xi32, #tpu.memory_space<vmem>>) semaphore(%run_scoped3A : memref<!tpu.dma_semaphore, #tpu.memory_space<semaphore_mem>>) {add = true}
        %dma_wait3A_28 = arith.constant 0 : i32
        %dma_wait3A_29 = arith.constant 0 : i32
        %dma_wait3A_30 = tpu.memref_slice %arg10[%dma_wait3A_28, %dma_wait3A_29] : memref<10112x128xf32, #tpu.memory_space<vmem_shared>> -> memref<10112x128xf32, #tpu.memory_space<vmem_shared>>
        tpu.wait_indirect_dma semaphore(%run_scoped3A : memref<!tpu.dma_semaphore, #tpu.memory_space<semaphore_mem>>) src(%arg9 : memref<128x128xf32, #tpu.memory_space<vmem>>) dst(%dma_wait3A_30 : memref<10112x128xf32, #tpu.memory_space<vmem_shared>>)
        tpu.yield
      }) : () -> ()
    }
    %scan3A_11 = arith.constant 79 : i32
    %barrier3A_12 = arith.constant 0 : index
    tpu.barrier barrier_id(%barrier3A_12)
    %mul3A_13 = arith.constant 632 : i32
    %mul3A_14 = arith.muli %arg1, %mul3A_13 : i32
    %mul3A_15 = arith.constant 632 : i32
    %mul3A_16 = arith.muli %arg1, %mul3A_15 : i32
    "tpu.region"() ({
      %run_scoped3A = tpu.sem_alloc : memref<!tpu.dma_semaphore, #tpu.memory_space<semaphore_mem>>
      %dma_start3A = arith.constant 0 : i32
      %dma_start3A_17 = arith.constant 0 : i32
      %dma_start3A_18 = tpu.memref_slice %arg6[%arg0, %dma_start3A, %dma_start3A_17] : memref<2x10112x128xf32, #tpu.memory_space<hbm>> -> memref<1x10112x128xf32, #tpu.memory_space<hbm>>
      %dma_start3A_19 = tpu.memref_squeeze %dma_start3A_18 : memref<1x10112x128xf32, #tpu.memory_space<hbm>> -> memref<10112x128xf32, #tpu.memory_space<hbm>>
      %dma_start3A_20 = arith.constant 0 : i32
      %dma_start3A_21 = tpu.memref_slice %dma_start3A_19[%mul3A_16, %dma_start3A_20] : memref<10112x128xf32, #tpu.memory_space<hbm>> -> memref<632x128xf32, #tpu.memory_space<hbm>>
      %dma_start3A_22 = arith.constant 0 : i32
      %dma_start3A_23 = tpu.memref_slice %arg10[%mul3A_14, %dma_start3A_22] : memref<10112x128xf32, #tpu.memory_space<vmem_shared>> -> memref<632x128xf32, #tpu.memory_space<vmem_shared>>
      tpu.enqueue_dma source(%dma_start3A_23 : memref<632x128xf32, #tpu.memory_space<vmem_shared>>) target(%dma_start3A_21 : memref<632x128xf32, #tpu.memory_space<hbm>>) target_semaphore(%run_scoped3A : memref<!tpu.dma_semaphore, #tpu.memory_space<semaphore_mem>>)
      %dma_wait3A = arith.constant 0 : i32
      %dma_wait3A_24 = arith.constant 0 : i32
      %dma_wait3A_25 = tpu.memref_slice %arg6[%arg0, %dma_wait3A, %dma_wait3A_24] : memref<2x10112x128xf32, #tpu.memory_space<hbm>> -> memref<1x10112x128xf32, #tpu.memory_space<hbm>>
      %dma_wait3A_26 = tpu.memref_squeeze %dma_wait3A_25 : memref<1x10112x128xf32, #tpu.memory_space<hbm>> -> memref<10112x128xf32, #tpu.memory_space<hbm>>
      %dma_wait3A_27 = arith.constant 0 : i32
      %dma_wait3A_28 = tpu.memref_slice %dma_wait3A_26[%mul3A_16, %dma_wait3A_27] : memref<10112x128xf32, #tpu.memory_space<hbm>> -> memref<632x128xf32, #tpu.memory_space<hbm>>
      %dma_wait3A_29 = arith.constant 0 : i32
      %dma_wait3A_30 = tpu.memref_slice %arg10[%mul3A_14, %dma_wait3A_29] : memref<10112x128xf32, #tpu.memory_space<vmem_shared>> -> memref<632x128xf32, #tpu.memory_space<vmem_shared>>
      tpu.wait_dma2 semaphore(%run_scoped3A : memref<!tpu.dma_semaphore, #tpu.memory_space<semaphore_mem>>) src(%dma_wait3A_30 : memref<632x128xf32, #tpu.memory_space<vmem_shared>>) dst(%dma_wait3A_28 : memref<632x128xf32, #tpu.memory_space<hbm>>)
      tpu.yield
    }) : () -> ()
    return
  }
}

#map = affine_map<(d0, d1) -> (0, 0)>
#map1 = affine_map<(d0, d1) -> (0)>
#map2 = affine_map<(d0, d1) -> (0, 0, 0)>
module attributes {stable_mosaic.version = 14 : i64} {
  func.func @_sc_agg(%arg0: i32, %arg1: i32, %arg2: memref<10112x128xf32, #tpu.memory_space<hbm>>, %arg3: memref<323584xi32, #tpu.memory_space<hbm>>, %arg4: memref<323584xi32, #tpu.memory_space<hbm>>, %arg5: memref<10112x128xf32, #tpu.memory_space<hbm>>, %arg6: memref<2x10112x128xf32, #tpu.memory_space<hbm>>, %arg7: memref<128xi32, #tpu.memory_space<vmem>>, %arg8: memref<128xi32, #tpu.memory_space<vmem>>, %arg9: memref<128x128xf32, #tpu.memory_space<vmem>>, %arg10: memref<10112x128xf32, #tpu.memory_space<vmem_shared>>, %arg11: memref<!tpu.dma_semaphore, #tpu.memory_space<semaphore_mem>>) attributes {dimension_semantics = [#tpu.dimension_semantics<core_parallel>, #tpu.dimension_semantics<subcore_parallel>], iteration_bounds = array<i64: 2, 16>, scalar_prefetch = 0 : i64, scratch_operands = 5 : i64, tpu.core_type = #tpu.core_type<sc_vector_subcore>, window_params = [{transform_indices = #map}, {transform_indices = #map1}, {transform_indices = #map1}, {transform_indices = #map}, {transform_indices = #map2}]} {
    %mul3A = arith.constant 16 : i32
    %mul3A_0 = arith.muli %arg0, %mul3A : i32
    %add3A = arith.addi %mul3A_0, %arg1 : i32
    %mul3A_1 = arith.constant 632 : i32
    %mul3A_2 = arith.muli %arg1, %mul3A_1 : i32
    %mul3A_3 = arith.constant 632 : i32
    %mul3A_4 = arith.muli %arg1, %mul3A_3 : i32
    "tpu.region"() ({
      %run_scoped3A = tpu.sem_alloc : memref<!tpu.dma_semaphore, #tpu.memory_space<semaphore_mem>>
      %dma_start3A = arith.constant 0 : i32
      %dma_start3A_17 = tpu.memref_slice %arg10[%mul3A_4, %dma_start3A] : memref<10112x128xf32, #tpu.memory_space<vmem_shared>> -> memref<632x128xf32, #tpu.memory_space<vmem_shared>>
      %dma_start3A_18 = arith.constant 0 : i32
      %dma_start3A_19 = tpu.memref_slice %arg5[%mul3A_2, %dma_start3A_18] : memref<10112x128xf32, #tpu.memory_space<hbm>> -> memref<632x128xf32, #tpu.memory_space<hbm>>
      tpu.enqueue_dma source(%dma_start3A_19 : memref<632x128xf32, #tpu.memory_space<hbm>>) target(%dma_start3A_17 : memref<632x128xf32, #tpu.memory_space<vmem_shared>>) target_semaphore(%run_scoped3A : memref<!tpu.dma_semaphore, #tpu.memory_space<semaphore_mem>>)
      %dma_wait3A = arith.constant 0 : i32
      %dma_wait3A_20 = tpu.memref_slice %arg10[%mul3A_4, %dma_wait3A] : memref<10112x128xf32, #tpu.memory_space<vmem_shared>> -> memref<632x128xf32, #tpu.memory_space<vmem_shared>>
      %dma_wait3A_21 = arith.constant 0 : i32
      %dma_wait3A_22 = tpu.memref_slice %arg5[%mul3A_2, %dma_wait3A_21] : memref<10112x128xf32, #tpu.memory_space<hbm>> -> memref<632x128xf32, #tpu.memory_space<hbm>>
      tpu.wait_dma2 semaphore(%run_scoped3A : memref<!tpu.dma_semaphore, #tpu.memory_space<semaphore_mem>>) src(%dma_wait3A_22 : memref<632x128xf32, #tpu.memory_space<hbm>>) dst(%dma_wait3A_20 : memref<632x128xf32, #tpu.memory_space<vmem_shared>>)
      tpu.yield
    }) : () -> ()
    %barrier3A = arith.constant 0 : index
    tpu.barrier barrier_id(%barrier3A)
    %mul3A_5 = arith.constant 10112 : i32
    %mul3A_6 = arith.muli %add3A, %mul3A_5 : i32
    %scan3A = arith.constant 0 : i32
    %scan3A_7 = arith.constant 0 : i32
    %scan3A_8 = arith.constant 79 : i32
    %scan3A_9 = arith.addi %scan3A_7, %scan3A_8 : i32
    %scan3A_10 = arith.constant 1 : i32
    scf.for %scan3A_17 = %scan3A_7 to %scan3A_9 step %scan3A_10  : i32 {
      %mul3A_18 = arith.constant 128 : i32
      %mul3A_19 = arith.muli %scan3A_17, %mul3A_18 : i32
      %add3A_20 = arith.addi %mul3A_6, %mul3A_19 : i32
      "tpu.region"() ({
        %run_scoped3A = tpu.sem_alloc : memref<!tpu.dma_semaphore, #tpu.memory_space<semaphore_mem>>
        %dma_start3A_25 = tpu.memref_slice %arg3[%add3A_20] : memref<323584xi32, #tpu.memory_space<hbm>> -> memref<128xi32, #tpu.memory_space<hbm>>
        %dma_start3A_26 = tpu.memref_slice %arg3[%add3A_20] : memref<323584xi32, #tpu.memory_space<hbm>> -> memref<128xi32, #tpu.memory_space<hbm>>
        tpu.enqueue_dma source(%dma_start3A_26 : memref<128xi32, #tpu.memory_space<hbm>>) target(%arg7 : memref<128xi32, #tpu.memory_space<vmem>>) target_semaphore(%run_scoped3A : memref<!tpu.dma_semaphore, #tpu.memory_space<semaphore_mem>>)
        %dma_wait3A_27 = tpu.memref_slice %arg3[%add3A_20] : memref<323584xi32, #tpu.memory_space<hbm>> -> memref<128xi32, #tpu.memory_space<hbm>>
        %dma_wait3A_28 = tpu.memref_slice %arg3[%add3A_20] : memref<323584xi32, #tpu.memory_space<hbm>> -> memref<128xi32, #tpu.memory_space<hbm>>
        tpu.wait_dma2 semaphore(%run_scoped3A : memref<!tpu.dma_semaphore, #tpu.memory_space<semaphore_mem>>) src(%dma_wait3A_28 : memref<128xi32, #tpu.memory_space<hbm>>) dst(%arg7 : memref<128xi32, #tpu.memory_space<vmem>>)
        tpu.yield
      }) : () -> ()
      "tpu.region"() ({
        %run_scoped3A = tpu.sem_alloc : memref<!tpu.dma_semaphore, #tpu.memory_space<semaphore_mem>>
        %dma_start3A_25 = tpu.memref_slice %arg4[%add3A_20] : memref<323584xi32, #tpu.memory_space<hbm>> -> memref<128xi32, #tpu.memory_space<hbm>>
        %dma_start3A_26 = tpu.memref_slice %arg4[%add3A_20] : memref<323584xi32, #tpu.memory_space<hbm>> -> memref<128xi32, #tpu.memory_space<hbm>>
        tpu.enqueue_dma source(%dma_start3A_26 : memref<128xi32, #tpu.memory_space<hbm>>) target(%arg8 : memref<128xi32, #tpu.memory_space<vmem>>) target_semaphore(%run_scoped3A : memref<!tpu.dma_semaphore, #tpu.memory_space<semaphore_mem>>)
        %dma_wait3A_27 = tpu.memref_slice %arg4[%add3A_20] : memref<323584xi32, #tpu.memory_space<hbm>> -> memref<128xi32, #tpu.memory_space<hbm>>
        %dma_wait3A_28 = tpu.memref_slice %arg4[%add3A_20] : memref<323584xi32, #tpu.memory_space<hbm>> -> memref<128xi32, #tpu.memory_space<hbm>>
        tpu.wait_dma2 semaphore(%run_scoped3A : memref<!tpu.dma_semaphore, #tpu.memory_space<semaphore_mem>>) src(%dma_wait3A_28 : memref<128xi32, #tpu.memory_space<hbm>>) dst(%arg8 : memref<128xi32, #tpu.memory_space<vmem>>)
        tpu.yield
      }) : () -> ()
      %dma_start3A = arith.constant 0 : i32
      %dma_start3A_21 = arith.constant 0 : i32
      %dma_start3A_22 = tpu.memref_slice %arg2[%dma_start3A, %dma_start3A_21] : memref<10112x128xf32, #tpu.memory_space<hbm>> -> memref<10112x128xf32, #tpu.memory_space<hbm>>
      tpu.enqueue_indirect_dma source(%dma_start3A_22 : memref<10112x128xf32, #tpu.memory_space<hbm>>) target(%arg9 : memref<128x128xf32, #tpu.memory_space<vmem>>) offsets(%arg7 : memref<128xi32, #tpu.memory_space<vmem>>) semaphore(%arg11 : memref<!tpu.dma_semaphore, #tpu.memory_space<semaphore_mem>>)
      %dma_wait3A = arith.constant 0 : i32
      %dma_wait3A_23 = arith.constant 0 : i32
      %dma_wait3A_24 = tpu.memref_slice %arg2[%dma_wait3A, %dma_wait3A_23] : memref<10112x128xf32, #tpu.memory_space<hbm>> -> memref<10112x128xf32, #tpu.memory_space<hbm>>
      tpu.wait_indirect_dma semaphore(%arg11 : memref<!tpu.dma_semaphore, #tpu.memory_space<semaphore_mem>>) src(%dma_wait3A_24 : memref<10112x128xf32, #tpu.memory_space<hbm>>) dst(%arg9 : memref<128x128xf32, #tpu.memory_space<vmem>>)
      "tpu.region"() ({
        %run_scoped3A = tpu.sem_alloc : memref<!tpu.dma_semaphore, #tpu.memory_space<semaphore_mem>>
        %dma_start3A_25 = arith.constant 0 : i32
        %dma_start3A_26 = arith.constant 0 : i32
        %dma_start3A_27 = tpu.memref_slice %arg10[%dma_start3A_25, %dma_start3A_26] : memref<10112x128xf32, #tpu.memory_space<vmem_shared>> -> memref<10112x128xf32, #tpu.memory_space<vmem_shared>>
        tpu.enqueue_indirect_dma source(%arg9 : memref<128x128xf32, #tpu.memory_space<vmem>>) target(%dma_start3A_27 : memref<10112x128xf32, #tpu.memory_space<vmem_shared>>) offsets(%arg8 : memref<128xi32, #tpu.memory_space<vmem>>) semaphore(%run_scoped3A : memref<!tpu.dma_semaphore, #tpu.memory_space<semaphore_mem>>) {add = true}
        %dma_wait3A_28 = arith.constant 0 : i32
        %dma_wait3A_29 = arith.constant 0 : i32
        %dma_wait3A_30 = tpu.memref_slice %arg10[%dma_wait3A_28, %dma_wait3A_29] : memref<10112x128xf32, #tpu.memory_space<vmem_shared>> -> memref<10112x128xf32, #tpu.memory_space<vmem_shared>>
        tpu.wait_indirect_dma semaphore(%run_scoped3A : memref<!tpu.dma_semaphore, #tpu.memory_space<semaphore_mem>>) src(%arg9 : memref<128x128xf32, #tpu.memory_space<vmem>>) dst(%dma_wait3A_30 : memref<10112x128xf32, #tpu.memory_space<vmem_shared>>)
        tpu.yield
      }) : () -> ()
    }
    %scan3A_11 = arith.constant 79 : i32
    %barrier3A_12 = arith.constant 0 : index
    tpu.barrier barrier_id(%barrier3A_12)
    %mul3A_13 = arith.constant 632 : i32
    %mul3A_14 = arith.muli %arg1, %mul3A_13 : i32
    %mul3A_15 = arith.constant 632 : i32
    %mul3A_16 = arith.muli %arg1, %mul3A_15 : i32
    "tpu.region"() ({
      %run_scoped3A = tpu.sem_alloc : memref<!tpu.dma_semaphore, #tpu.memory_space<semaphore_mem>>
      %dma_start3A = arith.constant 0 : i32
      %dma_start3A_17 = arith.constant 0 : i32
      %dma_start3A_18 = tpu.memref_slice %arg6[%arg0, %dma_start3A, %dma_start3A_17] : memref<2x10112x128xf32, #tpu.memory_space<hbm>> -> memref<1x10112x128xf32, #tpu.memory_space<hbm>>
      %dma_start3A_19 = tpu.memref_squeeze %dma_start3A_18 : memref<1x10112x128xf32, #tpu.memory_space<hbm>> -> memref<10112x128xf32, #tpu.memory_space<hbm>>
      %dma_start3A_20 = arith.constant 0 : i32
      %dma_start3A_21 = tpu.memref_slice %dma_start3A_19[%mul3A_16, %dma_start3A_20] : memref<10112x128xf32, #tpu.memory_space<hbm>> -> memref<632x128xf32, #tpu.memory_space<hbm>>
      %dma_start3A_22 = arith.constant 0 : i32
      %dma_start3A_23 = tpu.memref_slice %arg10[%mul3A_14, %dma_start3A_22] : memref<10112x128xf32, #tpu.memory_space<vmem_shared>> -> memref<632x128xf32, #tpu.memory_space<vmem_shared>>
      tpu.enqueue_dma source(%dma_start3A_23 : memref<632x128xf32, #tpu.memory_space<vmem_shared>>) target(%dma_start3A_21 : memref<632x128xf32, #tpu.memory_space<hbm>>) target_semaphore(%run_scoped3A : memref<!tpu.dma_semaphore, #tpu.memory_space<semaphore_mem>>)
      %dma_wait3A = arith.constant 0 : i32
      %dma_wait3A_24 = arith.constant 0 : i32
      %dma_wait3A_25 = tpu.memref_slice %arg6[%arg0, %dma_wait3A, %dma_wait3A_24] : memref<2x10112x128xf32, #tpu.memory_space<hbm>> -> memref<1x10112x128xf32, #tpu.memory_space<hbm>>
      %dma_wait3A_26 = tpu.memref_squeeze %dma_wait3A_25 : memref<1x10112x128xf32, #tpu.memory_space<hbm>> -> memref<10112x128xf32, #tpu.memory_space<hbm>>
      %dma_wait3A_27 = arith.constant 0 : i32
      %dma_wait3A_28 = tpu.memref_slice %dma_wait3A_26[%mul3A_16, %dma_wait3A_27] : memref<10112x128xf32, #tpu.memory_space<hbm>> -> memref<632x128xf32, #tpu.memory_space<hbm>>
      %dma_wait3A_29 = arith.constant 0 : i32
      %dma_wait3A_30 = tpu.memref_slice %arg10[%mul3A_14, %dma_wait3A_29] : memref<10112x128xf32, #tpu.memory_space<vmem_shared>> -> memref<632x128xf32, #tpu.memory_space<vmem_shared>>
      tpu.wait_dma2 semaphore(%run_scoped3A : memref<!tpu.dma_semaphore, #tpu.memory_space<semaphore_mem>>) src(%dma_wait3A_30 : memref<632x128xf32, #tpu.memory_space<vmem_shared>>) dst(%dma_wait3A_28 : memref<632x128xf32, #tpu.memory_space<hbm>>)
      tpu.yield
    }) : () -> ()
    return
  }
}

#map = affine_map<(d0, d1) -> (0, 0)>
#map1 = affine_map<(d0, d1) -> (0)>
#map2 = affine_map<(d0, d1) -> (0, 0, 0)>
module attributes {stable_mosaic.version = 14 : i64} {
  func.func @_sc_agg(%arg0: i32, %arg1: i32, %arg2: memref<10112x128xf32, #tpu.memory_space<hbm>>, %arg3: memref<323584xi32, #tpu.memory_space<hbm>>, %arg4: memref<323584xi32, #tpu.memory_space<hbm>>, %arg5: memref<10112x128xf32, #tpu.memory_space<hbm>>, %arg6: memref<2x10112x128xf32, #tpu.memory_space<hbm>>, %arg7: memref<128xi32, #tpu.memory_space<vmem>>, %arg8: memref<128xi32, #tpu.memory_space<vmem>>, %arg9: memref<128x128xf32, #tpu.memory_space<vmem>>, %arg10: memref<10112x128xf32, #tpu.memory_space<vmem_shared>>, %arg11: memref<!tpu.dma_semaphore, #tpu.memory_space<semaphore_mem>>) attributes {dimension_semantics = [#tpu.dimension_semantics<core_parallel>, #tpu.dimension_semantics<subcore_parallel>], iteration_bounds = array<i64: 2, 16>, scalar_prefetch = 0 : i64, scratch_operands = 5 : i64, tpu.core_type = #tpu.core_type<sc_vector_subcore>, window_params = [{transform_indices = #map}, {transform_indices = #map1}, {transform_indices = #map1}, {transform_indices = #map}, {transform_indices = #map2}]} {
    %mul3A = arith.constant 16 : i32
    %mul3A_0 = arith.muli %arg0, %mul3A : i32
    %add3A = arith.addi %mul3A_0, %arg1 : i32
    %mul3A_1 = arith.constant 632 : i32
    %mul3A_2 = arith.muli %arg1, %mul3A_1 : i32
    %mul3A_3 = arith.constant 632 : i32
    %mul3A_4 = arith.muli %arg1, %mul3A_3 : i32
    "tpu.region"() ({
      %run_scoped3A = tpu.sem_alloc : memref<!tpu.dma_semaphore, #tpu.memory_space<semaphore_mem>>
      %dma_start3A = arith.constant 0 : i32
      %dma_start3A_17 = tpu.memref_slice %arg10[%mul3A_4, %dma_start3A] : memref<10112x128xf32, #tpu.memory_space<vmem_shared>> -> memref<632x128xf32, #tpu.memory_space<vmem_shared>>
      %dma_start3A_18 = arith.constant 0 : i32
      %dma_start3A_19 = tpu.memref_slice %arg5[%mul3A_2, %dma_start3A_18] : memref<10112x128xf32, #tpu.memory_space<hbm>> -> memref<632x128xf32, #tpu.memory_space<hbm>>
      tpu.enqueue_dma source(%dma_start3A_19 : memref<632x128xf32, #tpu.memory_space<hbm>>) target(%dma_start3A_17 : memref<632x128xf32, #tpu.memory_space<vmem_shared>>) target_semaphore(%run_scoped3A : memref<!tpu.dma_semaphore, #tpu.memory_space<semaphore_mem>>)
      %dma_wait3A = arith.constant 0 : i32
      %dma_wait3A_20 = tpu.memref_slice %arg10[%mul3A_4, %dma_wait3A] : memref<10112x128xf32, #tpu.memory_space<vmem_shared>> -> memref<632x128xf32, #tpu.memory_space<vmem_shared>>
      %dma_wait3A_21 = arith.constant 0 : i32
      %dma_wait3A_22 = tpu.memref_slice %arg5[%mul3A_2, %dma_wait3A_21] : memref<10112x128xf32, #tpu.memory_space<hbm>> -> memref<632x128xf32, #tpu.memory_space<hbm>>
      tpu.wait_dma2 semaphore(%run_scoped3A : memref<!tpu.dma_semaphore, #tpu.memory_space<semaphore_mem>>) src(%dma_wait3A_22 : memref<632x128xf32, #tpu.memory_space<hbm>>) dst(%dma_wait3A_20 : memref<632x128xf32, #tpu.memory_space<vmem_shared>>)
      tpu.yield
    }) : () -> ()
    %barrier3A = arith.constant 0 : index
    tpu.barrier barrier_id(%barrier3A)
    %mul3A_5 = arith.constant 10112 : i32
    %mul3A_6 = arith.muli %add3A, %mul3A_5 : i32
    %scan3A = arith.constant 0 : i32
    %scan3A_7 = arith.constant 0 : i32
    %scan3A_8 = arith.constant 79 : i32
    %scan3A_9 = arith.addi %scan3A_7, %scan3A_8 : i32
    %scan3A_10 = arith.constant 1 : i32
    scf.for %scan3A_17 = %scan3A_7 to %scan3A_9 step %scan3A_10  : i32 {
      %mul3A_18 = arith.constant 128 : i32
      %mul3A_19 = arith.muli %scan3A_17, %mul3A_18 : i32
      %add3A_20 = arith.addi %mul3A_6, %mul3A_19 : i32
      "tpu.region"() ({
        %run_scoped3A = tpu.sem_alloc : memref<!tpu.dma_semaphore, #tpu.memory_space<semaphore_mem>>
        %dma_start3A_25 = tpu.memref_slice %arg3[%add3A_20] : memref<323584xi32, #tpu.memory_space<hbm>> -> memref<128xi32, #tpu.memory_space<hbm>>
        %dma_start3A_26 = tpu.memref_slice %arg3[%add3A_20] : memref<323584xi32, #tpu.memory_space<hbm>> -> memref<128xi32, #tpu.memory_space<hbm>>
        tpu.enqueue_dma source(%dma_start3A_26 : memref<128xi32, #tpu.memory_space<hbm>>) target(%arg7 : memref<128xi32, #tpu.memory_space<vmem>>) target_semaphore(%run_scoped3A : memref<!tpu.dma_semaphore, #tpu.memory_space<semaphore_mem>>)
        %dma_wait3A_27 = tpu.memref_slice %arg3[%add3A_20] : memref<323584xi32, #tpu.memory_space<hbm>> -> memref<128xi32, #tpu.memory_space<hbm>>
        %dma_wait3A_28 = tpu.memref_slice %arg3[%add3A_20] : memref<323584xi32, #tpu.memory_space<hbm>> -> memref<128xi32, #tpu.memory_space<hbm>>
        tpu.wait_dma2 semaphore(%run_scoped3A : memref<!tpu.dma_semaphore, #tpu.memory_space<semaphore_mem>>) src(%dma_wait3A_28 : memref<128xi32, #tpu.memory_space<hbm>>) dst(%arg7 : memref<128xi32, #tpu.memory_space<vmem>>)
        tpu.yield
      }) : () -> ()
      "tpu.region"() ({
        %run_scoped3A = tpu.sem_alloc : memref<!tpu.dma_semaphore, #tpu.memory_space<semaphore_mem>>
        %dma_start3A_25 = tpu.memref_slice %arg4[%add3A_20] : memref<323584xi32, #tpu.memory_space<hbm>> -> memref<128xi32, #tpu.memory_space<hbm>>
        %dma_start3A_26 = tpu.memref_slice %arg4[%add3A_20] : memref<323584xi32, #tpu.memory_space<hbm>> -> memref<128xi32, #tpu.memory_space<hbm>>
        tpu.enqueue_dma source(%dma_start3A_26 : memref<128xi32, #tpu.memory_space<hbm>>) target(%arg8 : memref<128xi32, #tpu.memory_space<vmem>>) target_semaphore(%run_scoped3A : memref<!tpu.dma_semaphore, #tpu.memory_space<semaphore_mem>>)
        %dma_wait3A_27 = tpu.memref_slice %arg4[%add3A_20] : memref<323584xi32, #tpu.memory_space<hbm>> -> memref<128xi32, #tpu.memory_space<hbm>>
        %dma_wait3A_28 = tpu.memref_slice %arg4[%add3A_20] : memref<323584xi32, #tpu.memory_space<hbm>> -> memref<128xi32, #tpu.memory_space<hbm>>
        tpu.wait_dma2 semaphore(%run_scoped3A : memref<!tpu.dma_semaphore, #tpu.memory_space<semaphore_mem>>) src(%dma_wait3A_28 : memref<128xi32, #tpu.memory_space<hbm>>) dst(%arg8 : memref<128xi32, #tpu.memory_space<vmem>>)
        tpu.yield
      }) : () -> ()
      %dma_start3A = arith.constant 0 : i32
      %dma_start3A_21 = arith.constant 0 : i32
      %dma_start3A_22 = tpu.memref_slice %arg2[%dma_start3A, %dma_start3A_21] : memref<10112x128xf32, #tpu.memory_space<hbm>> -> memref<10112x128xf32, #tpu.memory_space<hbm>>
      tpu.enqueue_indirect_dma source(%dma_start3A_22 : memref<10112x128xf32, #tpu.memory_space<hbm>>) target(%arg9 : memref<128x128xf32, #tpu.memory_space<vmem>>) offsets(%arg7 : memref<128xi32, #tpu.memory_space<vmem>>) semaphore(%arg11 : memref<!tpu.dma_semaphore, #tpu.memory_space<semaphore_mem>>)
      %dma_wait3A = arith.constant 0 : i32
      %dma_wait3A_23 = arith.constant 0 : i32
      %dma_wait3A_24 = tpu.memref_slice %arg2[%dma_wait3A, %dma_wait3A_23] : memref<10112x128xf32, #tpu.memory_space<hbm>> -> memref<10112x128xf32, #tpu.memory_space<hbm>>
      tpu.wait_indirect_dma semaphore(%arg11 : memref<!tpu.dma_semaphore, #tpu.memory_space<semaphore_mem>>) src(%dma_wait3A_24 : memref<10112x128xf32, #tpu.memory_space<hbm>>) dst(%arg9 : memref<128x128xf32, #tpu.memory_space<vmem>>)
      "tpu.region"() ({
        %run_scoped3A = tpu.sem_alloc : memref<!tpu.dma_semaphore, #tpu.memory_space<semaphore_mem>>
        %dma_start3A_25 = arith.constant 0 : i32
        %dma_start3A_26 = arith.constant 0 : i32
        %dma_start3A_27 = tpu.memref_slice %arg10[%dma_start3A_25, %dma_start3A_26] : memref<10112x128xf32, #tpu.memory_space<vmem_shared>> -> memref<10112x128xf32, #tpu.memory_space<vmem_shared>>
        tpu.enqueue_indirect_dma source(%arg9 : memref<128x128xf32, #tpu.memory_space<vmem>>) target(%dma_start3A_27 : memref<10112x128xf32, #tpu.memory_space<vmem_shared>>) offsets(%arg8 : memref<128xi32, #tpu.memory_space<vmem>>) semaphore(%run_scoped3A : memref<!tpu.dma_semaphore, #tpu.memory_space<semaphore_mem>>) {add = true}
        %dma_wait3A_28 = arith.constant 0 : i32
        %dma_wait3A_29 = arith.constant 0 : i32
        %dma_wait3A_30 = tpu.memref_slice %arg10[%dma_wait3A_28, %dma_wait3A_29] : memref<10112x128xf32, #tpu.memory_space<vmem_shared>> -> memref<10112x128xf32, #tpu.memory_space<vmem_shared>>
        tpu.wait_indirect_dma semaphore(%run_scoped3A : memref<!tpu.dma_semaphore, #tpu.memory_space<semaphore_mem>>) src(%arg9 : memref<128x128xf32, #tpu.memory_space<vmem>>) dst(%dma_wait3A_30 : memref<10112x128xf32, #tpu.memory_space<vmem_shared>>)
        tpu.yield
      }) : () -> ()
    }
    %scan3A_11 = arith.constant 79 : i32
    %barrier3A_12 = arith.constant 0 : index
    tpu.barrier barrier_id(%barrier3A_12)
    %mul3A_13 = arith.constant 632 : i32
    %mul3A_14 = arith.muli %arg1, %mul3A_13 : i32
    %mul3A_15 = arith.constant 632 : i32
    %mul3A_16 = arith.muli %arg1, %mul3A_15 : i32
    "tpu.region"() ({
      %run_scoped3A = tpu.sem_alloc : memref<!tpu.dma_semaphore, #tpu.memory_space<semaphore_mem>>
      %dma_start3A = arith.constant 0 : i32
      %dma_start3A_17 = arith.constant 0 : i32
      %dma_start3A_18 = tpu.memref_slice %arg6[%arg0, %dma_start3A, %dma_start3A_17] : memref<2x10112x128xf32, #tpu.memory_space<hbm>> -> memref<1x10112x128xf32, #tpu.memory_space<hbm>>
      %dma_start3A_19 = tpu.memref_squeeze %dma_start3A_18 : memref<1x10112x128xf32, #tpu.memory_space<hbm>> -> memref<10112x128xf32, #tpu.memory_space<hbm>>
      %dma_start3A_20 = arith.constant 0 : i32
      %dma_start3A_21 = tpu.memref_slice %dma_start3A_19[%mul3A_16, %dma_start3A_20] : memref<10112x128xf32, #tpu.memory_space<hbm>> -> memref<632x128xf32, #tpu.memory_space<hbm>>
      %dma_start3A_22 = arith.constant 0 : i32
      %dma_start3A_23 = tpu.memref_slice %arg10[%mul3A_14, %dma_start3A_22] : memref<10112x128xf32, #tpu.memory_space<vmem_shared>> -> memref<632x128xf32, #tpu.memory_space<vmem_shared>>
      tpu.enqueue_dma source(%dma_start3A_23 : memref<632x128xf32, #tpu.memory_space<vmem_shared>>) target(%dma_start3A_21 : memref<632x128xf32, #tpu.memory_space<hbm>>) target_semaphore(%run_scoped3A : memref<!tpu.dma_semaphore, #tpu.memory_space<semaphore_mem>>)
      %dma_wait3A = arith.constant 0 : i32
      %dma_wait3A_24 = arith.constant 0 : i32
      %dma_wait3A_25 = tpu.memref_slice %arg6[%arg0, %dma_wait3A, %dma_wait3A_24] : memref<2x10112x128xf32, #tpu.memory_space<hbm>> -> memref<1x10112x128xf32, #tpu.memory_space<hbm>>
      %dma_wait3A_26 = tpu.memref_squeeze %dma_wait3A_25 : memref<1x10112x128xf32, #tpu.memory_space<hbm>> -> memref<10112x128xf32, #tpu.memory_space<hbm>>
      %dma_wait3A_27 = arith.constant 0 : i32
      %dma_wait3A_28 = tpu.memref_slice %dma_wait3A_26[%mul3A_16, %dma_wait3A_27] : memref<10112x128xf32, #tpu.memory_space<hbm>> -> memref<632x128xf32, #tpu.memory_space<hbm>>
      %dma_wait3A_29 = arith.constant 0 : i32
      %dma_wait3A_30 = tpu.memref_slice %arg10[%mul3A_14, %dma_wait3A_29] : memref<10112x128xf32, #tpu.memory_space<vmem_shared>> -> memref<632x128xf32, #tpu.memory_space<vmem_shared>>
      tpu.wait_dma2 semaphore(%run_scoped3A : memref<!tpu.dma_semaphore, #tpu.memory_space<semaphore_mem>>) src(%dma_wait3A_30 : memref<632x128xf32, #tpu.memory_space<vmem_shared>>) dst(%dma_wait3A_28 : memref<632x128xf32, #tpu.memory_space<hbm>>)
      tpu.yield
    }) : () -> ()
    return
  }
}

module attributes {stable_mosaic.version = 14 : i64} {
  func.func @_prep_body(%arg0: i32, %arg1: memref<2x2000x128xf32, #tpu.memory_space<vmem>>, %arg2: memref<2x2000x128xf32, #tpu.memory_space<vmem>>, %arg3: memref<2000x1xi32, #tpu.memory_space<vmem>>, %arg4: memref<128x128xf32, #tpu.memory_space<vmem>>, %arg5: memref<2000x1xf32, #tpu.memory_space<vmem>>, %arg6: memref<2000x1xf32, #tpu.memory_space<vmem>>, %arg7: memref<2000x128xf32, #tpu.memory_space<vmem>>) attributes {dimension_semantics = [#tpu.dimension_semantics<arbitrary>], iteration_bounds = array<i64: 5>, scalar_prefetch = 0 : i64, scratch_operands = 0 : i64, tpu.core_type = #tpu.core_type<tc>, window_params = [{transform_indices = @transform_0, window_bounds = array<i64: 2, 2000, 128>}, {transform_indices = @transform_1, window_bounds = array<i64: 2, 2000, 128>}, {transform_indices = @transform_2, window_bounds = array<i64: 2000, 1>}, {pipeline_mode = #tpu.pipeline_mode<synchronous>, transform_indices = @transform_3, window_bounds = array<i64: 128, 128>}, {transform_indices = @transform_4, window_bounds = array<i64: 2000, 1>}, {transform_indices = @transform_5, window_bounds = array<i64: 2000, 1>}, {transform_indices = @transform_6, window_bounds = array<i64: 2000, 128>}]} {
    %get3A = arith.constant 0 : index
    %get3A_0 = arith.constant 0 : index
    %get3A_1 = arith.constant 0 : index
    %get3A_2 = vector.load %arg1[%get3A, %get3A_0, %get3A_1] : memref<2x2000x128xf32, #tpu.memory_space<vmem>>, vector<1x2000x1xf32>
    %get3A_3 = vector.shape_cast %get3A_2 : vector<1x2000x1xf32> to vector<2000x1xf32>
    %get3A_4 = arith.constant 1 : index
    %get3A_5 = arith.constant 0 : index
    %get3A_6 = arith.constant 0 : index
    %get3A_7 = vector.load %arg1[%get3A_4, %get3A_5, %get3A_6] : memref<2x2000x128xf32, #tpu.memory_space<vmem>>, vector<1x2000x1xf32>
    %get3A_8 = vector.shape_cast %get3A_7 : vector<1x2000x1xf32> to vector<2000x1xf32>
    %add3A = arith.addf %get3A_3, %get3A_8 : vector<2000x1xf32>
    %get3A_9 = arith.constant 0 : index
    %get3A_10 = arith.constant 0 : index
    %get3A_11 = arith.constant 0 : index
    %get3A_12 = vector.load %arg2[%get3A_9, %get3A_10, %get3A_11] : memref<2x2000x128xf32, #tpu.memory_space<vmem>>, vector<1x2000x1xf32>
    %get3A_13 = vector.shape_cast %get3A_12 : vector<1x2000x1xf32> to vector<2000x1xf32>
    %get3A_14 = arith.constant 1 : index
    %get3A_15 = arith.constant 0 : index
    %get3A_16 = arith.constant 0 : index
    %get3A_17 = vector.load %arg2[%get3A_14, %get3A_15, %get3A_16] : memref<2x2000x128xf32, #tpu.memory_space<vmem>>, vector<1x2000x1xf32>
    %get3A_18 = vector.shape_cast %get3A_17 : vector<1x2000x1xf32> to vector<2000x1xf32>
    %add3A_19 = arith.addf %get3A_13, %get3A_18 : vector<2000x1xf32>
    %gt3A = arith.constant 0.000000e+00 : f32
    %gt3A_20 = vector.broadcast %gt3A : f32 to vector<2000x1xf32>
    %gt3A_21 = arith.cmpf ogt, %add3A, %gt3A_20 : vector<2000x1xf32>
    %max3A = arith.constant 1.000000e+00 : f32
    %max3A_22 = vector.broadcast %max3A : f32 to vector<2000x1xf32>
    %max3A_23 = arith.maximumf %add3A, %max3A_22 : vector<2000x1xf32>
    %rsqrt3A = math.rsqrt %max3A_23 : vector<2000x1xf32>
    %jit3A = arith.constant 0.000000e+00 : f32
    %broadcast_in_dim3A = vector.broadcast %jit3A : f32 to vector<2000x1xf32>
    %select_n3A = arith.select %gt3A_21, %rsqrt3A, %broadcast_in_dim3A : vector<2000x1xi1>, vector<2000x1xf32>
    %swap3A = arith.constant 0 : index
    %swap3A_24 = arith.constant 0 : index
    %swap3A_25 = vector.load %arg5[%swap3A, %swap3A_24] : memref<2000x1xf32, #tpu.memory_space<vmem>>, vector<2000x1xf32>
    tpu.vector_store %arg5[%swap3A, %swap3A_24], %select_n3A {strides = array<i32>} : memref<2000x1xf32, #tpu.memory_space<vmem>>, vector<2000x1xf32>,
    %gt3A_26 = arith.constant 0.000000e+00 : f32
    %gt3A_27 = vector.broadcast %gt3A_26 : f32 to vector<2000x1xf32>
    %gt3A_28 = arith.cmpf ogt, %add3A_19, %gt3A_27 : vector<2000x1xf32>
    %max3A_29 = arith.constant 1.000000e+00 : f32
    %max3A_30 = vector.broadcast %max3A_29 : f32 to vector<2000x1xf32>
    %max3A_31 = arith.maximumf %add3A_19, %max3A_30 : vector<2000x1xf32>
    %rsqrt3A_32 = math.rsqrt %max3A_31 : vector<2000x1xf32>
    %jit3A_33 = arith.constant 0.000000e+00 : f32
    %broadcast_in_dim3A_34 = vector.broadcast %jit3A_33 : f32 to vector<2000x1xf32>
    %select_n3A_35 = arith.select %gt3A_28, %rsqrt3A_32, %broadcast_in_dim3A_34 : vector<2000x1xi1>, vector<2000x1xf32>
    %swap3A_36 = arith.constant 0 : index
    %swap3A_37 = arith.constant 0 : index
    %swap3A_38 = vector.load %arg6[%swap3A_36, %swap3A_37] : memref<2000x1xf32, #tpu.memory_space<vmem>>, vector<2000x1xf32>
    tpu.vector_store %arg6[%swap3A_36, %swap3A_37], %select_n3A_35 {strides = array<i32>} : memref<2000x1xf32, #tpu.memory_space<vmem>>, vector<2000x1xf32>,
    %iota3A = tpu.iota {dimensions = array<i32: 1>} : vector<2000x128xi32>
    %get3A_39 = arith.constant 0 : index
    %get3A_40 = arith.constant 0 : index
    %get3A_41 = vector.load %arg3[%get3A_39, %get3A_40] : memref<2000x1xi32, #tpu.memory_space<vmem>>, vector<2000x1xi32>
    %eq3A = vector.broadcast %get3A_41 : vector<2000x1xi32> to vector<2000x128xi32>
    %eq3A_42 = arith.cmpi eq, %iota3A, %eq3A : vector<2000x128xi32>
    %jit3A_43 = arith.constant 1.000000e+00 : f32
    %jit3A_44 = arith.constant 0.000000e+00 : f32
    %broadcast_in_dim3A_45 = vector.broadcast %jit3A_43 : f32 to vector<2000x128xf32>
    %broadcast_in_dim3A_46 = vector.broadcast %jit3A_44 : f32 to vector<2000x128xf32>
    %select_n3A_47 = arith.select %eq3A_42, %broadcast_in_dim3A_45, %broadcast_in_dim3A_46 : vector<2000x128xi1>, vector<2000x128xf32>
    %get3A_48 = arith.constant 0 : index
    %get3A_49 = arith.constant 0 : index
    %get3A_50 = vector.load %arg4[%get3A_48, %get3A_49] : memref<128x128xf32, #tpu.memory_space<vmem>>, vector<128x128xf32>
    %dot_general3A = arith.constant dense<0.000000e+00> : vector<2000x128xf32>
    %dot_general3A_51 = tpu.matmul %select_n3A_47, %get3A_50, %dot_general3A {dimension_numbers = #tpu.dot_dimension_numbers<[1], [0], [0], [1], [0, 0, 1, 1], [], []>, transpose_lhs_hint = false} : vector<2000x128xf32>, vector<128x128xf32>, vector<2000x128xf32> -> vector<2000x128xf32>
    %swap3A_52 = arith.constant 0 : index
    %swap3A_53 = arith.constant 0 : index
    %swap3A_54 = vector.load %arg7[%swap3A_52, %swap3A_53] : memref<2000x128xf32, #tpu.memory_space<vmem>>, vector<2000x128xf32>
    tpu.vector_store %arg7[%swap3A_52, %swap3A_53], %dot_general3A_51 {strides = array<i32>} : memref<2000x128xf32, #tpu.memory_space<vmem>>, vector<2000x128xf32>,
    return
  }
  func.func @transform_0(%arg0: i32) -> (i32, i32, i32) {
    %c0_i32 = arith.constant 0 : i32
    %c0_i32_0 = arith.constant 0 : i32
    %c0_i32_1 = arith.constant 0 : i32
    return %c0_i32, %arg0, %c0_i32_0 : i32, i32, i32
  }
  func.func @transform_1(%arg0: i32) -> (i32, i32, i32) {
    %c0_i32 = arith.constant 0 : i32
    %c0_i32_0 = arith.constant 0 : i32
    %c0_i32_1 = arith.constant 0 : i32
    return %c0_i32, %arg0, %c0_i32_0 : i32, i32, i32
  }
  func.func @transform_2(%arg0: i32) -> (i32, i32) {
    %c0_i32 = arith.constant 0 : i32
    %c0_i32_0 = arith.constant 0 : i32
    return %arg0, %c0_i32 : i32, i32
  }
  func.func @transform_3(%arg0: i32) -> (i32, i32) {
    %c0_i32 = arith.constant 0 : i32
    %c0_i32_0 = arith.constant 0 : i32
    %c0_i32_1 = arith.constant 0 : i32
    return %c0_i32, %c0_i32_0 : i32, i32
  }
  func.func @transform_4(%arg0: i32) -> (i32, i32) {
    %c0_i32 = arith.constant 0 : i32
    %c0_i32_0 = arith.constant 0 : i32
    return %arg0, %c0_i32 : i32, i32
  }
  func.func @transform_5(%arg0: i32) -> (i32, i32) {
    %c0_i32 = arith.constant 0 : i32
    %c0_i32_0 = arith.constant 0 : i32
    return %arg0, %c0_i32 : i32, i32
  }
  func.func @transform_6(%arg0: i32) -> (i32, i32) {
    %c0_i32 = arith.constant 0 : i32
    %c0_i32_0 = arith.constant 0 : i32
    return %arg0, %c0_i32 : i32, i32
  }
}

module attributes {stable_mosaic.version = 14 : i64} {
  func.func @_pre_body(%arg0: memref<10000x128xf32, #tpu.memory_space<vmem>>, %arg1: memref<128x128xf32, #tpu.memory_space<vmem>>, %arg2: memref<10000x1xf32, #tpu.memory_space<vmem>>, %arg3: memref<10112x128xf32, #tpu.memory_space<vmem>>) attributes {dimension_semantics = [], scalar_prefetch = 0 : i64, scratch_operands = 0 : i64, tpu.core_type = #tpu.core_type<tc>} {
    %get3A = arith.constant 0 : index
    %get3A_0 = arith.constant 0 : index
    %get3A_1 = vector.load %arg0[%get3A, %get3A_0] : memref<10000x128xf32, #tpu.memory_space<vmem>>, vector<10000x128xf32>
    %get3A_2 = arith.constant 0 : index
    %get3A_3 = arith.constant 0 : index
    %get3A_4 = vector.load %arg1[%get3A_2, %get3A_3] : memref<128x128xf32, #tpu.memory_space<vmem>>, vector<128x128xf32>
    %dot_general3A = arith.constant dense<0.000000e+00> : vector<10000x128xf32>
    %dot_general3A_5 = tpu.matmul %get3A_1, %get3A_4, %dot_general3A {dimension_numbers = #tpu.dot_dimension_numbers<[1], [0], [0], [1], [0, 0, 1, 1], [], []>, transpose_lhs_hint = false} : vector<10000x128xf32>, vector<128x128xf32>, vector<10000x128xf32> -> vector<10000x128xf32>
    %get3A_6 = arith.constant 0 : index
    %get3A_7 = arith.constant 0 : index
    %get3A_8 = vector.load %arg2[%get3A_6, %get3A_7] : memref<10000x1xf32, #tpu.memory_space<vmem>>, vector<10000x1xf32>
    %mul3A = vector.broadcast %get3A_8 : vector<10000x1xf32> to vector<10000x128xf32>
    %mul3A_9 = arith.mulf %dot_general3A_5, %mul3A : vector<10000x128xf32>
    %swap3A = arith.constant 0 : index
    %swap3A_10 = arith.constant 0 : index
    %swap3A_11 = vector.load %arg3[%swap3A, %swap3A_10] : memref<10112x128xf32, #tpu.memory_space<vmem>>, vector<10000x128xf32>
    tpu.vector_store %arg3[%swap3A, %swap3A_10], %mul3A_9 {strides = array<i32>} : memref<10112x128xf32, #tpu.memory_space<vmem>>, vector<10000x128xf32>,
    %broadcast_in_dim3A = arith.constant 0.000000e+00 : f32
    %broadcast_in_dim3A_12 = vector.broadcast %broadcast_in_dim3A : f32 to vector<112x128xf32>
    %swap3A_13 = arith.constant 10000 : index
    %swap3A_14 = arith.constant 0 : index
    %swap3A_15 = vector.load %arg3[%swap3A_13, %swap3A_14] : memref<10112x128xf32, #tpu.memory_space<vmem>>, vector<112x128xf32>
    tpu.vector_store %arg3[%swap3A_13, %swap3A_14], %broadcast_in_dim3A_12 {strides = array<i32>} : memref<10112x128xf32, #tpu.memory_space<vmem>>, vector<112x128xf32>,
    return
  }
}

module attributes {stable_mosaic.version = 14 : i64} {
  func.func @_post_body(%arg0: memref<10000x128xf32, #tpu.memory_space<vmem>>, %arg1: memref<2x10112x128xf32, #tpu.memory_space<vmem>>, %arg2: memref<10000x1xf32, #tpu.memory_space<vmem>>, %arg3: memref<1x128xf32, #tpu.memory_space<vmem>>, %arg4: memref<1x128xf32, #tpu.memory_space<vmem>>, %arg5: memref<1x128xf32, #tpu.memory_space<vmem>>, %arg6: memref<10000x128xf32, #tpu.memory_space<vmem>>) attributes {dimension_semantics = [], scalar_prefetch = 0 : i64, scratch_operands = 0 : i64, tpu.core_type = #tpu.core_type<tc>} {
    %get3A = arith.constant 0 : index
    %get3A_0 = arith.constant 0 : index
    %get3A_1 = arith.constant 0 : index
    %get3A_2 = vector.load %arg1[%get3A, %get3A_0, %get3A_1] : memref<2x10112x128xf32, #tpu.memory_space<vmem>>, vector<1x10000x128xf32>
    %get3A_3 = vector.shape_cast %get3A_2 : vector<1x10000x128xf32> to vector<10000x128xf32>
    %get3A_4 = arith.constant 1 : index
    %get3A_5 = arith.constant 0 : index
    %get3A_6 = arith.constant 0 : index
    %get3A_7 = vector.load %arg1[%get3A_4, %get3A_5, %get3A_6] : memref<2x10112x128xf32, #tpu.memory_space<vmem>>, vector<1x10000x128xf32>
    %get3A_8 = vector.shape_cast %get3A_7 : vector<1x10000x128xf32> to vector<10000x128xf32>
    %add3A = arith.addf %get3A_3, %get3A_8 : vector<10000x128xf32>
    %get3A_9 = arith.constant 0 : index
    %get3A_10 = arith.constant 0 : index
    %get3A_11 = vector.load %arg2[%get3A_9, %get3A_10] : memref<10000x1xf32, #tpu.memory_space<vmem>>, vector<10000x1xf32>
    %mul3A = vector.broadcast %get3A_11 : vector<10000x1xf32> to vector<10000x128xf32>
    %mul3A_12 = arith.mulf %add3A, %mul3A : vector<10000x128xf32>
    %get3A_13 = arith.constant 0 : index
    %get3A_14 = arith.constant 0 : index
    %get3A_15 = vector.load %arg3[%get3A_13, %get3A_14] : memref<1x128xf32, #tpu.memory_space<vmem>>, vector<1x128xf32>
    %add3A_16 = vector.broadcast %get3A_15 : vector<1x128xf32> to vector<10000x128xf32>
    %add3A_17 = arith.addf %mul3A_12, %add3A_16 : vector<10000x128xf32>
    %reduce_sum3A = arith.constant dense<0.000000e+00> : vector<128xf32>
    %reduce_sum3A_18 = vector.multi_reduction <add>, %add3A_17, %reduce_sum3A [0] : vector<10000x128xf32> to vector<128xf32>
    %broadcast_in_dim3A = vector.shape_cast %reduce_sum3A_18 : vector<128xf32> to vector<1x128xf32>
    %div3A = arith.constant 1.000000e+04 : f32
    %div3A_19 = vector.broadcast %div3A : f32 to vector<1x128xf32>
    %div3A_20 = arith.divf %broadcast_in_dim3A, %div3A_19 : vector<1x128xf32>
    %sub3A = vector.broadcast %div3A_20 : vector<1x128xf32> to vector<10000x128xf32>
    %sub3A_21 = arith.subf %add3A_17, %sub3A : vector<10000x128xf32>
    %integer_pow3A = arith.mulf %sub3A_21, %sub3A_21 : vector<10000x128xf32>
    %reduce_sum3A_22 = arith.constant dense<0.000000e+00> : vector<128xf32>
    %reduce_sum3A_23 = vector.multi_reduction <add>, %integer_pow3A, %reduce_sum3A_22 [0] : vector<10000x128xf32> to vector<128xf32>
    %broadcast_in_dim3A_24 = vector.shape_cast %reduce_sum3A_23 : vector<128xf32> to vector<1x128xf32>
    %div3A_25 = arith.constant 1.000000e+04 : f32
    %div3A_26 = vector.broadcast %div3A_25 : f32 to vector<1x128xf32>
    %div3A_27 = arith.divf %broadcast_in_dim3A_24, %div3A_26 : vector<1x128xf32>
    %sub3A_28 = vector.broadcast %div3A_20 : vector<1x128xf32> to vector<10000x128xf32>
    %sub3A_29 = arith.subf %add3A_17, %sub3A_28 : vector<10000x128xf32>
    %add3A_30 = arith.constant 9.99999974E-6 : f32
    %add3A_31 = vector.broadcast %add3A_30 : f32 to vector<1x128xf32>
    %add3A_32 = arith.addf %div3A_27, %add3A_31 : vector<1x128xf32>
    %rsqrt3A = math.rsqrt %add3A_32 : vector<1x128xf32>
    %mul3A_33 = vector.broadcast %rsqrt3A : vector<1x128xf32> to vector<10000x128xf32>
    %mul3A_34 = arith.mulf %sub3A_29, %mul3A_33 : vector<10000x128xf32>
    %get3A_35 = arith.constant 0 : index
    %get3A_36 = arith.constant 0 : index
    %get3A_37 = vector.load %arg4[%get3A_35, %get3A_36] : memref<1x128xf32, #tpu.memory_space<vmem>>, vector<1x128xf32>
    %mul3A_38 = vector.broadcast %get3A_37 : vector<1x128xf32> to vector<10000x128xf32>
    %mul3A_39 = arith.mulf %mul3A_34, %mul3A_38 : vector<10000x128xf32>
    %get3A_40 = arith.constant 0 : index
    %get3A_41 = arith.constant 0 : index
    %get3A_42 = vector.load %arg5[%get3A_40, %get3A_41] : memref<1x128xf32, #tpu.memory_space<vmem>>, vector<1x128xf32>
    %add3A_43 = vector.broadcast %get3A_42 : vector<1x128xf32> to vector<10000x128xf32>
    %add3A_44 = arith.addf %mul3A_39, %add3A_43 : vector<10000x128xf32>
    %get3A_45 = arith.constant 0 : index
    %get3A_46 = arith.constant 0 : index
    %get3A_47 = vector.load %arg0[%get3A_45, %get3A_46] : memref<10000x128xf32, #tpu.memory_space<vmem>>, vector<10000x128xf32>
    %max3A = arith.constant 0.000000e+00 : f32
    %max3A_48 = vector.broadcast %max3A : f32 to vector<10000x128xf32>
    %max3A_49 = arith.maximumf %add3A_44, %max3A_48 : vector<10000x128xf32>
    %add3A_50 = arith.addf %get3A_47, %max3A_49 : vector<10000x128xf32>
    %swap3A = arith.constant 0 : index
    %swap3A_51 = arith.constant 0 : index
    %swap3A_52 = vector.load %arg6[%swap3A, %swap3A_51] : memref<10000x128xf32, #tpu.memory_space<vmem>>, vector<10000x128xf32>
    tpu.vector_store %arg6[%swap3A, %swap3A_51], %add3A_50 {strides = array<i32>} : memref<10000x128xf32, #tpu.memory_space<vmem>>, vector<10000x128xf32>,
    return
  }
}

module attributes {stable_mosaic.version = 14 : i64} {
  func.func @_mlp_body(%arg0: memref<10000x128xf32, #tpu.memory_space<vmem>>, %arg1: memref<128x64xf32, #tpu.memory_space<vmem>>, %arg2: memref<1x64xf32, #tpu.memory_space<vmem>>, %arg3: memref<64x32xf32, #tpu.memory_space<vmem>>, %arg4: memref<1x32xf32, #tpu.memory_space<vmem>>, %arg5: memref<32x1xf32, #tpu.memory_space<vmem>>, %arg6: memref<1x1xf32, #tpu.memory_space<vmem>>, %arg7: memref<10000x1xf32, #tpu.memory_space<vmem>>) attributes {dimension_semantics = [], scalar_prefetch = 0 : i64, scratch_operands = 0 : i64, tpu.core_type = #tpu.core_type<tc>} {
    %get3A = arith.constant 0 : index
    %get3A_0 = arith.constant 0 : index
    %get3A_1 = vector.load %arg0[%get3A, %get3A_0] : memref<10000x128xf32, #tpu.memory_space<vmem>>, vector<10000x128xf32>
    %get3A_2 = arith.constant 0 : index
    %get3A_3 = arith.constant 0 : index
    %get3A_4 = vector.load %arg1[%get3A_2, %get3A_3] : memref<128x64xf32, #tpu.memory_space<vmem>>, vector<128x64xf32>
    %dot_general3A = arith.constant dense<0.000000e+00> : vector<10000x64xf32>
    %dot_general3A_5 = tpu.matmul %get3A_1, %get3A_4, %dot_general3A {dimension_numbers = #tpu.dot_dimension_numbers<[1], [0], [0], [1], [0, 0, 1, 1], [], []>, transpose_lhs_hint = false} : vector<10000x128xf32>, vector<128x64xf32>, vector<10000x64xf32> -> vector<10000x64xf32>
    %get3A_6 = arith.constant 0 : index
    %get3A_7 = arith.constant 0 : index
    %get3A_8 = vector.load %arg2[%get3A_6, %get3A_7] : memref<1x64xf32, #tpu.memory_space<vmem>>, vector<1x64xf32>
    %add3A = vector.broadcast %get3A_8 : vector<1x64xf32> to vector<10000x64xf32>
    %add3A_9 = arith.addf %dot_general3A_5, %add3A : vector<10000x64xf32>
    %max3A = arith.constant 0.000000e+00 : f32
    %max3A_10 = vector.broadcast %max3A : f32 to vector<10000x64xf32>
    %max3A_11 = arith.maximumf %add3A_9, %max3A_10 : vector<10000x64xf32>
    %get3A_12 = arith.constant 0 : index
    %get3A_13 = arith.constant 0 : index
    %get3A_14 = vector.load %arg3[%get3A_12, %get3A_13] : memref<64x32xf32, #tpu.memory_space<vmem>>, vector<64x32xf32>
    %dot_general3A_15 = arith.constant dense<0.000000e+00> : vector<10000x32xf32>
    %dot_general3A_16 = tpu.matmul %max3A_11, %get3A_14, %dot_general3A_15 {dimension_numbers = #tpu.dot_dimension_numbers<[1], [0], [0], [1], [0, 0, 1, 1], [], []>, transpose_lhs_hint = false} : vector<10000x64xf32>, vector<64x32xf32>, vector<10000x32xf32> -> vector<10000x32xf32>
    %get3A_17 = arith.constant 0 : index
    %get3A_18 = arith.constant 0 : index
    %get3A_19 = vector.load %arg4[%get3A_17, %get3A_18] : memref<1x32xf32, #tpu.memory_space<vmem>>, vector<1x32xf32>
    %add3A_20 = vector.broadcast %get3A_19 : vector<1x32xf32> to vector<10000x32xf32>
    %add3A_21 = arith.addf %dot_general3A_16, %add3A_20 : vector<10000x32xf32>
    %max3A_22 = arith.constant 0.000000e+00 : f32
    %max3A_23 = vector.broadcast %max3A_22 : f32 to vector<10000x32xf32>
    %max3A_24 = arith.maximumf %add3A_21, %max3A_23 : vector<10000x32xf32>
    %get3A_25 = arith.constant 0 : index
    %get3A_26 = arith.constant 0 : index
    %get3A_27 = vector.load %arg5[%get3A_25, %get3A_26] : memref<32x1xf32, #tpu.memory_space<vmem>>, vector<32x1xf32>
    %dot_general3A_28 = arith.constant dense<0.000000e+00> : vector<10000x1xf32>
    %dot_general3A_29 = tpu.matmul %max3A_24, %get3A_27, %dot_general3A_28 {dimension_numbers = #tpu.dot_dimension_numbers<[1], [0], [0], [1], [0, 0, 1, 1], [], []>, transpose_lhs_hint = false} : vector<10000x32xf32>, vector<32x1xf32>, vector<10000x1xf32> -> vector<10000x1xf32>
    %get3A_30 = arith.constant 0 : index
    %get3A_31 = arith.constant 0 : index
    %get3A_32 = vector.load %arg6[%get3A_30, %get3A_31] : memref<1x1xf32, #tpu.memory_space<vmem>>, vector<1x1xf32>
    %add3A_33 = vector.broadcast %get3A_32 : vector<1x1xf32> to vector<10000x1xf32>
    %add3A_34 = arith.addf %dot_general3A_29, %add3A_33 : vector<10000x1xf32>
    %swap3A = arith.constant 0 : index
    %swap3A_35 = arith.constant 0 : index
    %swap3A_36 = vector.load %arg7[%swap3A, %swap3A_35] : memref<10000x1xf32, #tpu.memory_space<vmem>>, vector<10000x1xf32>
    tpu.vector_store %arg7[%swap3A, %swap3A_35], %add3A_34 {strides = array<i32>} : memref<10000x1xf32, #tpu.memory_space<vmem>>, vector<10000x1xf32>,
    return
  }
}

</mosaic_0001>

<sc_bundles>
// kernel: kernel.17.cloned.1.call-start
scs
__scs_entry_jumppad:
0x0: {  	(pc) =	sbr.rel $0x88, $3  }
0x1: {  	(tag) =	ssettag $0x0;
	lr =	simm.s32 $0x1  }
0x2: {  	[smem:$0x3F94] =	sst lr;
	_ =	strace $0xD0000000  }
0x3: {  	_ = 	snop  }
0x4: {  	_ = 	snop  }
0x5: {  	_ = 	snop  }
0x6: {  	_ = 	snop  }
0x7: {  	_ = 	snop  }
__scs_overlays_trampoline_lowered:
0x8: {  	[smem:$0x3FA3] =	sst s0  }
0x9: {  	[smem:$0x3FA4] =	sst s1  }
0xa: {  	[smem:$0x3FA5] =	sst s2  }
0xb: {  	[smem:$0x3FA6] =	sst s3  }
0xc: {  	[smem:$0x3FA7] =	sst s4  }
0xd: {  	[smem:$0x3FA8] =	sst s5  }
0xe: {  	[smem:$0x3FA9] =	sst s6  }
0xf: {  	[smem:$0x3FAA] =	sst s7  }
0x10: {  	[smem:$0x3FAB] =	sst s8  }
0x11: {  	[smem:$0x3FAC] =	sst s9;
	s0 =	simm.s32 @!p0 $0x0  }
0x12: {  	s1 =	sld [smem:$0x3F92];
	s0 =	simm.s32 @p0 $0x1  }
0x13: {  	[smem:$0x3FAD] =	sst s0;
	s0 =	simm.s32 @!p1 $0x0  }
0x14: {  	s2 =	sld [smem:$0x3F91];
	s0 =	simm.s32 @p1 $0x1  }
0x15: {  	[smem:$0x3FAE] =	sst s0;
	s0 =	simm.s32 @!p2 $0x0  }
0x16: {  	s3 =	sld [smem:$0x3FDB];
	s0 =	simm.s32 @p2 $0x1  }
0x17: {  	s4 =	simm.s32 $0x1BF5;
	[smem:$0x3FB0] =	sst s0  }
0x18: {  	s0 =	sld [smem:$0x3F93];
	_ =	swait.ge [sflag:s4], $0x0  }
0x19: {  	s7 =	sld [smem:$0x3F94]  }
0x1a: {  	s8 =	sadd.s32 $0xFFFFE003, lr  }
0x1b: {  	s9 =	sadd.s32 $0xFFFFFEF7, lr;
	s5 =	simm.s32 $0xFFFFFFFF;
	p2 =	slt.u32 s8, $0xFFFFF086  }
0x1c: {  	p1 =	slt.u32 s9, $0xF7A;
	s5 =	simm.s32 @!p2 $0x0  }
0x1d: {  	s5 =	simm.s32 @p1 $0x1;
	p0 =	seq.s32 s7, s2  }
0x1e: {  	s7 =	smul.u32 @!p0 $0xF7A, s2;
	p2 =	seq.s32 @!p0 s5, $0x0  }
0x1f: {  	s9 =	smul.u32 $0xF7A, s1;
	s8 =	simm.s32 @!p0 $0x1BF5;
	p2 =	por !p2, p0  }
0x20: {  	[sflag:s8] =	ssyncset.s32 @!p0 $0xFFFFF086;
	s6 =	sadd.s32 @!p0 s3, s7;
	s7 =	simm.s32 @!p0 $0x108  }
0x21: {  	s3 =	sadd.s32 s3, s9;
	s6 =	sadd.s32 @!p0 $0x88, s6;
	s7 =	simm.s32 @p2 $0x1082  }
0x22: {  	[simem:s7], [sflag:s8] =	dma.local @!p0 [hbm:s6], $0xF7A  }
0x23: {  	s9 =	sor.u32 $0xD0000000, s2;
	s6 =	simm.s32 $0x108;
	_ =	swait.ge @!p0 [sflag:s8], $0x0  }
0x24: {  	s3 =	sadd.s32 $0x88, s3;
	s6 =	simm.s32 @!p1 $0x1082;
	[sflag:s4] =	ssyncset.s32 $0xFFFFF086  }
0x25: {  	[simem:s6], [sflag:s4] =	dma.local [hbm:s3], $0xF7A  }
0x26: {  	[smem:$0x3F94] =	sst s1;
	(tag) =	ssettag s2;
	_ =	strace s9  }
0x27: {  	s1 =	sld [smem:$0x3FA4]  }
0x28: {  	s2 =	sld [smem:$0x3FA5]  }
0x29: {  	s4 =	sld [smem:$0x3FA7]  }
0x2a: {  	p0 =	seq.s32 s5, $0x0;
	s5 =	sld [smem:$0x3FA8]  }
0x2b: {  	s6 =	sld [smem:$0x3FA9]  }
0x2c: {  	s7 =	sld [smem:$0x3FAA]  }
0x2d: {  	s3 =	simm.s32 $0x108;
	s8 =	sld [smem:$0x3FAB]  }
0x2e: {  	s3 =	simm.s32 @!p0 $0x1082;
	s9 =	sld [smem:$0x3FAC]  }
0x2f: {  	lr =	sadd.s32 s0, s3;
	s0 =	sld [smem:$0x3FA3]  }
0x30: {  	s3 =	sld [smem:$0x3FA6]  }
0x31: {  	[smem:$0x3FAF] =	sst s10  }
0x32: {  	s10 =	sld [smem:$0x3FAD];
	_ =	sdelay $0x3  }
0x33: {  	p0 =	seq.s32 s10, $0x1;
	s10 =	sld [smem:$0x3FAF];
	_ =	sdelay $0x3  }
0x34: {  	[smem:$0x3FAF] =	sst s10  }
0x35: {  	s10 =	sld [smem:$0x3FAE];
	_ =	sdelay $0x3  }
0x36: {  	p1 =	seq.s32 s10, $0x1;
	s10 =	sld [smem:$0x3FAF];
	_ =	sdelay $0x3  }
0x37: {  	[smem:$0x3FAF] =	sst s10  }
0x38: {  	s10 =	sld [smem:$0x3FB0]  }
0x39: {  	_ = 	snop;
	(pc) =	sbr.ind lr, $3  }
0x3a: {  	_ = 	snop  }
0x3b: {  	_ = 	snop  }
0x3c: {  	p2 =	seq.s32 s10, $0x1;
	s10 =	sld [smem:$0x3FAF]  }
0x3d: {  	_ =	shalt  }
0x3e: {  	_ =	shalt  }
0x3f: {  	_ =	shalt  }
0x40: {  	_ =	shalt  }
0x41: {  	_ =	shalt  }
0x42: {  	_ =	shalt  }
0x43: {  	_ =	shalt  }
0x44: {  	_ =	shalt  }
0x45: {  	_ =	shalt  }
0x46: {  	_ =	shalt  }
0x47: {  	_ =	shalt  }
0x48: {  	_ =	shalt  }
0x49: {  	_ =	shalt  }
0x4a: {  	_ =	shalt  }
0x4b: {  	_ =	shalt  }
0x4c: {  	_ =	shalt  }
0x4d: {  	_ =	shalt  }
0x4e: {  	_ =	shalt  }
0x4f: {  	_ =	shalt  }
0x50: {  	_ =	shalt  }
0x51: {  	_ =	shalt  }
0x52: {  	_ =	shalt  }
0x53: {  	_ =	shalt  }
0x54: {  	_ =	shalt  }
0x55: {  	_ =	shalt  }
0x56: {  	_ =	shalt  }
0x57: {  	_ =	shalt  }
0x58: {  	_ =	shalt  }
0x59: {  	_ =	shalt  }
0x5a: {  	_ =	shalt  }
0x5b: {  	_ =	shalt  }
0x5c: {  	_ =	shalt  }
0x5d: {  	_ =	shalt  }
0x5e: {  	_ =	shalt  }
0x5f: {  	_ =	shalt  }
0x60: {  	_ =	shalt  }
0x61: {  	_ =	shalt  }
0x62: {  	_ =	shalt  }
0x63: {  	_ =	shalt  }
0x64: {  	_ =	shalt  }
0x65: {  	_ =	shalt  }
0x66: {  	_ =	shalt  }
0x67: {  	_ =	shalt  }
0x68: {  	_ =	shalt  }
0x69: {  	_ =	shalt  }
0x6a: {  	_ =	shalt  }
0x6b: {  	_ =	shalt  }
0x6c: {  	_ =	shalt  }
0x6d: {  	_ =	shalt  }
0x6e: {  	_ =	shalt  }
0x6f: {  	_ =	shalt  }
0x70: {  	_ =	shalt  }
0x71: {  	_ =	shalt  }
0x72: {  	_ =	shalt  }
0x73: {  	_ =	shalt  }
0x74: {  	_ =	shalt  }
0x75: {  	_ =	shalt  }
0x76: {  	_ =	shalt  }
0x77: {  	_ =	shalt  }
0x78: {  	_ =	shalt  }
0x79: {  	_ =	shalt  }
0x7a: {  	_ =	shalt  }
0x7b: {  	_ =	shalt  }
0x7c: {  	_ =	shalt  }
0x7d: {  	_ =	shalt  }
0x7e: {  	_ =	shalt  }
0x7f: {  	_ =	shalt  }
0x80: {  	_ =	shalt  }
0x81: {  	_ =	shalt  }
0x82: {  	_ =	shalt  }
0x83: {  	_ =	shalt  }
0x84: {  	_ =	shalt  }
0x85: {  	_ =	shalt  }
0x86: {  	_ =	shalt  }
0x87: {  	_ =	shalt  }
.Lfunc_end0:
.L_simem_size_0:
called_computation_lowered:
.L_overlay_start_0:
0x88: {  	s2 =	sld [smem:$0x3FD9]  }
0x89: {  	s3 =	sld [smem:$0x3FFE];
	_ =	sdelay $0x1  }
0x8a: {  	s1 =	srdreg.scid  }
0x8b: {  	s0 =	sand.u32 $0x1, s1  }
0x8c: {  	s16 =	sshll.u32 s0, $0xA;
	s2 =	sadd.s32 s3, s2  }
0x8d: {  	s2 =	sadd.s32 s2, s16  }
0x8e: {  	[smem:$0x3FBB] =	sst s2  }
0x8f: {  	_ = 	snop  }
0x90: {  	(tm) =	ssettm $0x1  }
0x91: {  	s17 =	sld [smem:$0x3FFB];
	_ =	sdelay $0x3  }
0x92: {  	_ =	strace s17  }
0x93: {  	s2 =	sld [smem:$0x3FFC];
	_ =	sdelay $0x3  }
0x94: {  	_ =	strace s2  }
0x95: {  	s2 =	sld [smem:$0x3FFD];
	_ =	sdelay $0x3  }
0x96: {  	_ =	strace s2  }
0x97: {  	_ =	strace $0x8FFFFFFF  }
0x98: {  	s18 =	sld [smem:$0x3FDB];
	_ =	sdelay $0x1  }
0x99: {  	s19 =	simm.s32 $_scs_section_size  }
0x9a: {  	s4 =	simm.s32 $_size__tile_overlayer_lowered;
	s5 =	simm.s32 $_tile_overlayer_lowered  }
0x9b: {  	s22 =	simm.s32 $0x1BFF;
	s21 =	sshll.u32 s5, $0x1;
	s2 =	sadd.s32 s19, s18  }
0x9c: {  	s6 =	simm.s32 $0x0;
	s20 =	sshll.u32 s4, $0x1;
	s4 =	sadd.s32 s21, s2  }
0x9d: {  	[timem:s6], [sflag:s22] =	dma.local [hbm:s4], s20  }
0x9e: {  	_ =	swait.ge [sflag:s22], s20  }
0x9f: {  	s3 =	ssub.s32 $0x0, s20;
	[sflag:s22] =	ssyncset.done $0x0  }
0xa0: {  	[sflag:s22] =	ssyncadd.s32 s3;
	_ =	sdelay $0x1  }
0xa1: {  	s23 =	simm.s32 $0x1B8B  }
0xa2: {  	_ =	swait.ge [sflag:s23], $0x1  }
0xa3: {  	[sflag:s23] =	ssyncset.done $0x0  }
0xa4: {  	s25 =	simm.s32 $0x1B8E;
	s24 =	sld [smem:$0x3FFE];
	[sflag:s23] =	ssyncadd.s32 $0xFFFFFFFF  }
0xa5: {  	s26 =	simm.s32 $execute0_lowered;
	[smem:$0x3FD2] =	sst s25  }
0xa6: {  	s4 =	sshll.u32 s26, $0x1;
	_ =	strace $0x80000046;
	[dreg:$0x1] =	wrdreg $0xFFFFFFFF  }
0xa7: {  	s28 =	simm.s32 $_size_execute0_lowered;
	s2 =	sadd.s32 s2, s4;
	[dreg:$0x0] =	wrdreg $0x0  }
0xa8: {  	s4 =	sshll.u32 s28, $0x1;
	[dreg:$0x2] =	wrdreg s2  }
0xa9: {  	[dreg:$0x3] =	wrdreg s4  }
0xaa: {  	[dreg:$0x4] =	wrdreg $0xC0  }
0xab: {  	_ =	task [dreg:s6], $0x5FFFF  }
0xac: {  	[dreg:$0x1] =	wrdreg $0xFFFFFFFF  }
0xad: {  	[dreg:$0x0] =	wrdreg $0x60  }
0xae: {  	[dreg:$0x2] =	wrdreg s24  }
0xaf: {  	[dreg:$0x3] =	wrdreg $0x68000  }
0xb0: {  	[dreg:$0x4] =	wrdreg $0x9  }
0xb1: {  	_ =	task.clear_ibuf [dreg:s6], $0x5FFFF;
	_ =	strace $0x90000046  }
0xb2: {  	s29 =	simm.s32 $0x9;
	_ =	strace $0x80000048  }
0xb3: {  	_ =	swait.ge [sflag:s29], $0x1  }
0xb4: {  	[sflag:s29] =	ssyncadd.s32 $0xFFFFFFFF  }
0xb5: {  	_ =	strace $0x90000048  }
0xb6: {  	_ =	sfence  }
0xb7: {  	s30 =	sld [smem:$0x0];
	_ =	sdelay $0x2  }
0xb8: {  	s31 =	sshll.u32 s1, $0xD;
	s1 =	sshrl.u32 s1, $0x2  }
0xb9: {  	s3 =	sand.u32 $0x4000, s31;
	s1 =	sadd.s32 s1, s30  }
0xba: {  	s0 =	sor.u32 s3, s0;
	s1 =	sshll.u32 s1, $0x11  }
0xbb: {  	s0 =	sor.u32 s1, s0  }
0xbc: {  	s0 =	sadd.s32 $0x8F2B, s0  }
0xbd: {  	[sflag:s0] =	ssyncadd.remote.s32 $0x1  }
0xbe: {  	_ =	sfence.sel $0xFFFF  }
0xbf: {  	[dreg:$0x0] =	wrdreg $0xFFFFFFFF;
	(pc) =	sbr.abs _section_cstart, $3  }
0xc0: {  	[dreg:$0x1] =	wrdreg $0xFFFFFFFF  }
0xc1: {  	_ =	task.clear_ibuf [dreg:s6], $0x2FFFF;
	_ =	strace $0x9FFFFFFF  }
0xc2: {  	(tm) =	ssettm $0x7FFFFFFF  }
0xc3: {  	_ =	shalt  }
tec
execute0_lowered:
.L_overlay_start_1:
0x0: {  	(tag) =	ssettag $0x1  }
0x1: {  	s0 =	srdreg.scid  }
0x2: {  	s6 =	rddreg [dreg:$0x0];
	s5 =	sand.u32 $0x1, s0;
	s0 =	stileid.u32  }
0x3: {  	s2 =	rddreg [dreg:$0x1];
	s15 =	smul.u32 $0x2780, s0  }
0x4: {  	s3 =	simm.s32 $0x0;
	s13 =	simm.s32 $0x80;
	s8 =	smul.u32 $0x4F000, s0  }
0x5: {  	[smem:$0x7FF] =	sst s3;
	s1 =	sshll.u32 s5, $0x4;
	s9 =	smul.u32 $0x27800, s5  }
0x6: {  	s5 =	ssub.s32 $0x2, s5;
	s31 =	sshll.u32 s0, $0x6;
	s4 =	sor.u32 s0, s1  }
0x7: {  	s1 =	rddreg [dreg:$0x2];
	_ =	strace $0x80000047;
	s11 =	sshrl.u32 s5, $0x1  }
0x8: {  	s4 =	smul.u32 $0x500, s4;
	s10 =	sadd.s32 s15, s6;
	s8 =	sshrl.u32 s8, $0x2  }
0x9: {  	s9 =	sadd.s32 s9, s6;
	s11 =	ssub.s32 s5, s11;
	s12 =	sadd.s32 s8, s2  }
0xa: {  	s5 =	sadd.s32 $0x2C600, s10;
	s14 =	sadd.s32 $0x54600, s9;
	s16 =	sadd.s32 $0xA3600, s9  }
0xb: {  	s8 =	smax.u32 s11, $0x1;
	s9 =	simm.s32 $0x2800;
	s10 =	simm.s32 $0x1  }
0xc: {  	s11 =	sor.u32 $0x1C01, s31;
	s7 =	sadd.s32 s4, s6;
	s4 =	sadd.s32 $0x53E00, s6  }
0xd: {  	s12 =	sshrl.u32 s12, $0x3;
	s14 =	sadd.s32 s15, s14;
	s15 =	sadd.s32 s15, s16  }
0xe: {  	s16 =	simm.s32 $0x0;
	s6 =	sadd.s32 $0xE800, s7;
	s7 =	sadd.s32 $0x22600, s7  }
.LBB2_1:
0xf: {  	[tilespmem:s9], [sflag:$0x1] =	stream.linear.gather [hbm4b:s4+s3], $0x4000, $0x38;
	[tilespmem:$0x1A400] =	vst v63  }
0x10: {  	_ =	swait.ge [sflag:s10], $0x4000  }
0x11: {  	[sflag:s10] =	ssyncset.done $0x0  }
0x12: {  	[sflag:s10] =	ssyncadd.s32 $0xFFFFC000  }
0x13: {  	[spmem:s12], [sflag:s11] =	dma.local [hbm:s5], $0x2780  }
0x14: {  	_ =	swait.ge [sflag:s10], $0x2780  }
0x15: {  	[sflag:s10] =	ssyncset.done $0x0  }
0x16: {  	[sflag:s10] =	ssyncadd.s32 $0xFFFFD880  }
0x17: {  	[tilespmem:s3], [sflag:$0x1] =	stream.linear.gather [hbm4b:s6+s3], $0x2780, $0x38;
	[tilespmem:$0x1A400] =	vst v63  }
0x18: {  	_ =	swait.ge [sflag:s10], $0x2780  }
0x19: {  	[sflag:s10] =	ssyncset.done $0x0  }
0x1a: {  	[sflag:s10] =	ssyncadd.s32 $0xFFFFD880  }
0x1b: {  	s17 =	simm.s32 $0x0;
	[bflag:$0x0] =	sbarrier.arrive $0xFFFF  }
0x1c: {  	[spmem:s2] =	stream.indirect.scatter.add.f32 [tilespmem:s9], [sflag:$0x1], $0x80, s17, s13, $0xb8;
	[tilespmem:$0x1A400] =	vst v63  }
0x1d: {  	_ =	swait.ge [sflag:s10], $0x4000  }
0x1e: {  	s17 =	simm.s32 $0x200;
	[sflag:s10] =	ssyncset.done $0x0  }
.LBB2_2:
0x1f: {  	s18 =	sshra.s32 s17, $0x2;
	[sflag:s10] =	ssyncadd.s32 $0xFFFFC000;
	p0 =	sne.s32 s17, $0x9C00  }
0x20: {  	[spmem:s2] =	stream.indirect.scatter.add.f32 [tilespmem:s9], [sflag:$0x1], $0x80, s18, s13, $0xb8;
	[tilespmem:$0x1A400] =	vst v63  }
.Ltmp0:
0x21: {  	_ = 	snop;
	(pc) =	sbr.rel @p0 .LBB2_2-.Ltmp0, $4  }
0x22: {  	_ = 	snop  }
0x23: {  	s17 =	sadd.s32 $0x200, s17  }
0x24: {  	_ =	swait.ge [sflag:s10], $0x4000  }
0x25: {  	[sflag:s10] =	ssyncset.done $0x0  }
0x26: {  	[sflag:s10] =	ssyncadd.s32 $0xFFFFC000  }
0x27: {  	[bflag:$0x0] =	sbarrier.arrive $0xFFFF  }
0x28: {  	[hbm:s14], [sflag:s11] =	dma.local [spmem:s12], $0x2780  }
0x29: {  	_ =	swait.ge [sflag:s10], $0x2780  }
0x2a: {  	[sflag:s10] =	ssyncset.done $0x0  }
0x2b: {  	[sflag:s10] =	ssyncadd.s32 $0xFFFFD880  }
0x2c: {  	[spmem:s12], [sflag:s11] =	dma.local [hbm:s5], $0x2780  }
0x2d: {  	_ =	swait.ge [sflag:s10], $0x2780  }
0x2e: {  	[sflag:s10] =	ssyncset.done $0x0  }
0x2f: {  	s17 =	simm.s32 $0x0;
	[sflag:s10] =	ssyncadd.s32 $0xFFFFD880  }
0x30: {  	[tilespmem:s17], [sflag:$0x1] =	stream.linear.gather [hbm4b:s7+s17], $0x2780, $0x38;
	[tilespmem:$0x1A400] =	vst v63  }
0x31: {  	_ =	swait.ge [sflag:s10], $0x2780  }
0x32: {  	[sflag:s10] =	ssyncset.done $0x0  }
0x33: {  	[sflag:s10] =	ssyncadd.s32 $0xFFFFD880  }
0x34: {  	s31 =	simm.s32 $0x0;
	[bflag:$0x0] =	sbarrier.arrive $0xFFFF  }
0x35: {  	[spmem:s2] =	stream.indirect.scatter.add.f32 [tilespmem:s9], [sflag:$0x1], $0x80, s31, s13, $0xb8;
	[tilespmem:$0x1A400] =	vst v63  }
0x36: {  	_ =	swait.ge [sflag:s10], $0x4000  }
0x37: {  	s17 =	simm.s32 $0x200;
	[sflag:s10] =	ssyncset.done $0x0  }
.LBB2_4:
0x38: {  	s18 =	sshra.s32 s17, $0x2;
	[sflag:s10] =	ssyncadd.s32 $0xFFFFC000;
	p0 =	sne.s32 s17, $0x9C00  }
0x39: {  	[spmem:s2] =	stream.indirect.scatter.add.f32 [tilespmem:s9], [sflag:$0x1], $0x80, s18, s13, $0xb8;
	[tilespmem:$0x1A400] =	vst v63  }
.Ltmp1:
0x3a: {  	_ = 	snop;
	(pc) =	sbr.rel @p0 .LBB2_4-.Ltmp1, $4  }
0x3b: {  	_ = 	snop  }
0x3c: {  	s17 =	sadd.s32 $0x200, s17  }
0x3d: {  	_ =	swait.ge [sflag:s10], $0x4000  }
0x3e: {  	[sflag:s10] =	ssyncset.done $0x0  }
0x3f: {  	s16 =	sadd.s32 $0x1, s16  }
0x40: {  	[sflag:s10] =	ssyncadd.s32 $0xFFFFC000;
	p0 =	sne.s32 s16, s8  }
.Ltmp2:
0x41: {  	[bflag:$0x0] =	sbarrier.arrive $0xFFFF;
	(pc) =	sbr.rel @p0 .LBB2_1-.Ltmp2, $4  }
0x42: {  	[hbm:s15], [sflag:s11] =	dma.local [spmem:s12], $0x2780  }
0x43: {  	_ =	swait.ge [sflag:s10], $0x2780  }
0x44: {  	[sflag:s10] =	ssyncset.done $0x0  }
0x45: {  	[sflag:s10] =	ssyncadd.s32 $0xFFFFD880  }
0x46: {  	_ =	sfence.sel $0x180000  }
0x47: {  	[bflag:$0x0] =	sbarrier.arrive $0xFFFF  }
0x48: {  	p0 =	sne.s32 s0, $0x0;
	_ =	strace $0x90000047  }
0x49: {  	s0 =	sadd.s32 @!p0 $0x100000, s1;
	[bflag:$0x2] =	sbarrier.arrive $0xFFFF  }
0x4a: {  	[sflag:s0] =	ssyncadd.tile.s32 @!p0 $0x1;
	_ =	shalt  }
.Lfunc_end2:
_tile_overlayer_lowered:
.L_overlay_start_2:
0x4b: {  	(tag) =	ssettag $0x2  }
0x4c: {  	s0 =	rddreg [dreg:$0x0];
	s2 =	stileid.u32  }
0x4d: {  	s1 =	rddreg [dreg:$0x1];
	p0 =	sne.s32 s2, $0x0  }
0x4e: {  	s3 =	rddreg [dreg:$0x2];
	[bflag:$0x3] =	sbarrier.arrive $0xFFFF;
	s2 =	simm.s32 @!p0 $0x1C01  }
0x4f: {  	[timem:s3], [sflag:s2] =	dma.local @!p0 [hbm:s0], s1  }
0x50: {  	s0 =	simm.s32 @!p0 $0x1  }
0x51: {  	_ =	swait.ge @!p0 [sflag:s0], s1  }
0x52: {  	s1 =	ssub.s32 @!p0 $0x0, s1;
	[sflag:s0] =	ssyncset.done @!p0 $0x0  }
0x53: {  	[sflag:s0] =	ssyncadd.s32 @!p0 s1  }
0x54: {  	[bflag:$0x3] =	sbarrier.arrive $0xFFFF  }
0x55: {  	_ =	shalt  }

// kernel: kernel.20.cloned.1.call-start
scs
__scs_entry_jumppad:
0x0: {  	(pc) =	sbr.rel $0x88, $3  }
0x1: {  	(tag) =	ssettag $0x0;
	lr =	simm.s32 $0x1  }
0x2: {  	[smem:$0x3F94] =	sst lr;
	_ =	strace $0xD0000000  }
0x3: {  	_ = 	snop  }
0x4: {  	_ = 	snop  }
0x5: {  	_ = 	snop  }
0x6: {  	_ = 	snop  }
0x7: {  	_ = 	snop  }
__scs_overlays_trampoline_lowered:
0x8: {  	[smem:$0x3FA3] =	sst s0  }
0x9: {  	[smem:$0x3FA4] =	sst s1  }
0xa: {  	[smem:$0x3FA5] =	sst s2  }
0xb: {  	[smem:$0x3FA6] =	sst s3  }
0xc: {  	[smem:$0x3FA7] =	sst s4  }
0xd: {  	[smem:$0x3FA8] =	sst s5  }
0xe: {  	[smem:$0x3FA9] =	sst s6  }
0xf: {  	[smem:$0x3FAA] =	sst s7  }
0x10: {  	[smem:$0x3FAB] =	sst s8  }
0x11: {  	[smem:$0x3FAC] =	sst s9;
	s0 =	simm.s32 @!p0 $0x0  }
0x12: {  	s1 =	sld [smem:$0x3F92];
	s0 =	simm.s32 @p0 $0x1  }
0x13: {  	[smem:$0x3FAD] =	sst s0;
	s0 =	simm.s32 @!p1 $0x0  }
0x14: {  	s2 =	sld [smem:$0x3F91];
	s0 =	simm.s32 @p1 $0x1  }
0x15: {  	[smem:$0x3FAE] =	sst s0;
	s0 =	simm.s32 @!p2 $0x0  }
0x16: {  	s3 =	sld [smem:$0x3FDB];
	s0 =	simm.s32 @p2 $0x1  }
0x17: {  	s4 =	simm.s32 $0x1BF5;
	[smem:$0x3FB0] =	sst s0  }
0x18: {  	s0 =	sld [smem:$0x3F93];
	_ =	swait.ge [sflag:s4], $0x0  }
0x19: {  	s7 =	sld [smem:$0x3F94]  }
0x1a: {  	s8 =	sadd.s32 $0xFFFFE003, lr  }
0x1b: {  	s9 =	sadd.s32 $0xFFFFFEF7, lr;
	s5 =	simm.s32 $0xFFFFFFFF;
	p2 =	slt.u32 s8, $0xFFFFF086  }
0x1c: {  	p1 =	slt.u32 s9, $0xF7A;
	s5 =	simm.s32 @!p2 $0x0  }
0x1d: {  	s5 =	simm.s32 @p1 $0x1;
	p0 =	seq.s32 s7, s2  }
0x1e: {  	s7 =	smul.u32 @!p0 $0xF7A, s2;
	p2 =	seq.s32 @!p0 s5, $0x0  }
0x1f: {  	s9 =	smul.u32 $0xF7A, s1;
	s8 =	simm.s32 @!p0 $0x1BF5;
	p2 =	por !p2, p0  }
0x20: {  	[sflag:s8] =	ssyncset.s32 @!p0 $0xFFFFF086;
	s6 =	sadd.s32 @!p0 s3, s7;
	s7 =	simm.s32 @!p0 $0x108  }
0x21: {  	s3 =	sadd.s32 s3, s9;
	s6 =	sadd.s32 @!p0 $0x88, s6;
	s7 =	simm.s32 @p2 $0x1082  }
0x22: {  	[simem:s7], [sflag:s8] =	dma.local @!p0 [hbm:s6], $0xF7A  }
0x23: {  	s9 =	sor.u32 $0xD0000000, s2;
	s6 =	simm.s32 $0x108;
	_ =	swait.ge @!p0 [sflag:s8], $0x0  }
0x24: {  	s3 =	sadd.s32 $0x88, s3;
	s6 =	simm.s32 @!p1 $0x1082;
	[sflag:s4] =	ssyncset.s32 $0xFFFFF086  }
0x25: {  	[simem:s6], [sflag:s4] =	dma.local [hbm:s3], $0xF7A  }
0x26: {  	[smem:$0x3F94] =	sst s1;
	(tag) =	ssettag s2;
	_ =	strace s9  }
0x27: {  	s1 =	sld [smem:$0x3FA4]  }
0x28: {  	s2 =	sld [smem:$0x3FA5]  }
0x29: {  	s4 =	sld [smem:$0x3FA7]  }
0x2a: {  	p0 =	seq.s32 s5, $0x0;
	s5 =	sld [smem:$0x3FA8]  }
0x2b: {  	s6 =	sld [smem:$0x3FA9]  }
0x2c: {  	s7 =	sld [smem:$0x3FAA]  }
0x2d: {  	s3 =	simm.s32 $0x108;
	s8 =	sld [smem:$0x3FAB]  }
0x2e: {  	s3 =	simm.s32 @!p0 $0x1082;
	s9 =	sld [smem:$0x3FAC]  }
0x2f: {  	lr =	sadd.s32 s0, s3;
	s0 =	sld [smem:$0x3FA3]  }
0x30: {  	s3 =	sld [smem:$0x3FA6]  }
0x31: {  	[smem:$0x3FAF] =	sst s10  }
0x32: {  	s10 =	sld [smem:$0x3FAD];
	_ =	sdelay $0x3  }
0x33: {  	p0 =	seq.s32 s10, $0x1;
	s10 =	sld [smem:$0x3FAF];
	_ =	sdelay $0x3  }
0x34: {  	[smem:$0x3FAF] =	sst s10  }
0x35: {  	s10 =	sld [smem:$0x3FAE];
	_ =	sdelay $0x3  }
0x36: {  	p1 =	seq.s32 s10, $0x1;
	s10 =	sld [smem:$0x3FAF];
	_ =	sdelay $0x3  }
0x37: {  	[smem:$0x3FAF] =	sst s10  }
0x38: {  	s10 =	sld [smem:$0x3FB0]  }
0x39: {  	_ = 	snop;
	(pc) =	sbr.ind lr, $3  }
0x3a: {  	_ = 	snop  }
0x3b: {  	_ = 	snop  }
0x3c: {  	p2 =	seq.s32 s10, $0x1;
	s10 =	sld [smem:$0x3FAF]  }
0x3d: {  	_ =	shalt  }
0x3e: {  	_ =	shalt  }
0x3f: {  	_ =	shalt  }
0x40: {  	_ =	shalt  }
0x41: {  	_ =	shalt  }
0x42: {  	_ =	shalt  }
0x43: {  	_ =	shalt  }
0x44: {  	_ =	shalt  }
0x45: {  	_ =	shalt  }
0x46: {  	_ =	shalt  }
0x47: {  	_ =	shalt  }
0x48: {  	_ =	shalt  }
0x49: {  	_ =	shalt  }
0x4a: {  	_ =	shalt  }
0x4b: {  	_ =	shalt  }
0x4c: {  	_ =	shalt  }
0x4d: {  	_ =	shalt  }
0x4e: {  	_ =	shalt  }
0x4f: {  	_ =	shalt  }
0x50: {  	_ =	shalt  }
0x51: {  	_ =	shalt  }
0x52: {  	_ =	shalt  }
0x53: {  	_ =	shalt  }
0x54: {  	_ =	shalt  }
0x55: {  	_ =	shalt  }
0x56: {  	_ =	shalt  }
0x57: {  	_ =	shalt  }
0x58: {  	_ =	shalt  }
0x59: {  	_ =	shalt  }
0x5a: {  	_ =	shalt  }
0x5b: {  	_ =	shalt  }
0x5c: {  	_ =	shalt  }
0x5d: {  	_ =	shalt  }
0x5e: {  	_ =	shalt  }
0x5f: {  	_ =	shalt  }
0x60: {  	_ =	shalt  }
0x61: {  	_ =	shalt  }
0x62: {  	_ =	shalt  }
0x63: {  	_ =	shalt  }
0x64: {  	_ =	shalt  }
0x65: {  	_ =	shalt  }
0x66: {  	_ =	shalt  }
0x67: {  	_ =	shalt  }
0x68: {  	_ =	shalt  }
0x69: {  	_ =	shalt  }
0x6a: {  	_ =	shalt  }
0x6b: {  	_ =	shalt  }
0x6c: {  	_ =	shalt  }
0x6d: {  	_ =	shalt  }
0x6e: {  	_ =	shalt  }
0x6f: {  	_ =	shalt  }
0x70: {  	_ =	shalt  }
0x71: {  	_ =	shalt  }
0x72: {  	_ =	shalt  }
0x73: {  	_ =	shalt  }
0x74: {  	_ =	shalt  }
0x75: {  	_ =	shalt  }
0x76: {  	_ =	shalt  }
0x77: {  	_ =	shalt  }
0x78: {  	_ =	shalt  }
0x79: {  	_ =	shalt  }
0x7a: {  	_ =	shalt  }
0x7b: {  	_ =	shalt  }
0x7c: {  	_ =	shalt  }
0x7d: {  	_ =	shalt  }
0x7e: {  	_ =	shalt  }
0x7f: {  	_ =	shalt  }
0x80: {  	_ =	shalt  }
0x81: {  	_ =	shalt  }
0x82: {  	_ =	shalt  }
0x83: {  	_ =	shalt  }
0x84: {  	_ =	shalt  }
0x85: {  	_ =	shalt  }
0x86: {  	_ =	shalt  }
0x87: {  	_ =	shalt  }
.Lfunc_end0:
.L_simem_size_0:
called_computation.1_lowered:
.L_overlay_start_0:
0x88: {  	s2 =	sld [smem:$0x3FD9]  }
0x89: {  	s3 =	sld [smem:$0x3FFE];
	_ =	sdelay $0x1  }
0x8a: {  	s1 =	srdreg.scid  }
0x8b: {  	s0 =	sand.u32 $0x1, s1  }
0x8c: {  	s16 =	sshll.u32 s0, $0xA;
	s2 =	sadd.s32 s3, s2  }
0x8d: {  	s2 =	sadd.s32 s2, s16  }
0x8e: {  	[smem:$0x3FBB] =	sst s2  }
0x8f: {  	_ = 	snop  }
0x90: {  	(tm) =	ssettm $0x1  }
0x91: {  	s17 =	sld [smem:$0x3FFB];
	_ =	sdelay $0x3  }
0x92: {  	_ =	strace s17  }
0x93: {  	s2 =	sld [smem:$0x3FFC];
	_ =	sdelay $0x3  }
0x94: {  	_ =	strace s2  }
0x95: {  	s2 =	sld [smem:$0x3FFD];
	_ =	sdelay $0x3  }
0x96: {  	_ =	strace s2  }
0x97: {  	_ =	strace $0x8FFFFFFF  }
0x98: {  	s18 =	sld [smem:$0x3FDB];
	_ =	sdelay $0x1  }
0x99: {  	s19 =	simm.s32 $_scs_section_size  }
0x9a: {  	s4 =	simm.s32 $_size__tile_overlayer_lowered;
	s5 =	simm.s32 $_tile_overlayer_lowered  }
0x9b: {  	s22 =	simm.s32 $0x1BFF;
	s21 =	sshll.u32 s5, $0x1;
	s2 =	sadd.s32 s19, s18  }
0x9c: {  	s6 =	simm.s32 $0x0;
	s20 =	sshll.u32 s4, $0x1;
	s4 =	sadd.s32 s21, s2  }
0x9d: {  	[timem:s6], [sflag:s22] =	dma.local [hbm:s4], s20  }
0x9e: {  	_ =	swait.ge [sflag:s22], s20  }
0x9f: {  	s3 =	ssub.s32 $0x0, s20;
	[sflag:s22] =	ssyncset.done $0x0  }
0xa0: {  	[sflag:s22] =	ssyncadd.s32 s3;
	_ =	sdelay $0x1  }
0xa1: {  	s23 =	simm.s32 $0x1B8B  }
0xa2: {  	_ =	swait.ge [sflag:s23], $0x1  }
0xa3: {  	[sflag:s23] =	ssyncset.done $0x0  }
0xa4: {  	s25 =	simm.s32 $0x1B8E;
	s24 =	sld [smem:$0x3FFE];
	[sflag:s23] =	ssyncadd.s32 $0xFFFFFFFF  }
0xa5: {  	s26 =	simm.s32 $execute0_lowered;
	[smem:$0x3FD2] =	sst s25  }
0xa6: {  	s4 =	sshll.u32 s26, $0x1;
	_ =	strace $0x80000049;
	[dreg:$0x1] =	wrdreg $0xFFFFFFFF  }
0xa7: {  	s28 =	simm.s32 $_size_execute0_lowered;
	s2 =	sadd.s32 s2, s4;
	[dreg:$0x0] =	wrdreg $0x0  }
0xa8: {  	s4 =	sshll.u32 s28, $0x1;
	[dreg:$0x2] =	wrdreg s2  }
0xa9: {  	[dreg:$0x3] =	wrdreg s4  }
0xaa: {  	[dreg:$0x4] =	wrdreg $0xC0  }
0xab: {  	_ =	task [dreg:s6], $0x5FFFF  }
0xac: {  	[dreg:$0x1] =	wrdreg $0xFFFFFFFF  }
0xad: {  	[dreg:$0x0] =	wrdreg $0x60  }
0xae: {  	[dreg:$0x2] =	wrdreg s24  }
0xaf: {  	[dreg:$0x3] =	wrdreg $0x41000  }
0xb0: {  	[dreg:$0x4] =	wrdreg $0x9  }
0xb1: {  	_ =	task.clear_ibuf [dreg:s6], $0x5FFFF;
	_ =	strace $0x90000049  }
0xb2: {  	s29 =	simm.s32 $0x9;
	_ =	strace $0x8000004B  }
0xb3: {  	_ =	swait.ge [sflag:s29], $0x1  }
0xb4: {  	[sflag:s29] =	ssyncadd.s32 $0xFFFFFFFF  }
0xb5: {  	_ =	strace $0x9000004B  }
0xb6: {  	_ =	sfence  }
0xb7: {  	s30 =	sld [smem:$0x0];
	_ =	sdelay $0x2  }
0xb8: {  	s31 =	sshll.u32 s1, $0xD;
	s1 =	sshrl.u32 s1, $0x2  }
0xb9: {  	s3 =	sand.u32 $0x4000, s31;
	s1 =	sadd.s32 s1, s30  }
0xba: {  	s0 =	sor.u32 s3, s0;
	s1 =	sshll.u32 s1, $0x11  }
0xbb: {  	s0 =	sor.u32 s1, s0  }
0xbc: {  	s0 =	sadd.s32 $0x8F2B, s0  }
0xbd: {  	[sflag:s0] =	ssyncadd.remote.s32 $0x1  }
0xbe: {  	_ =	sfence.sel $0xFFFF  }
0xbf: {  	[dreg:$0x0] =	wrdreg $0xFFFFFFFF;
	(pc) =	sbr.abs _section_cstart, $3  }
0xc0: {  	[dreg:$0x1] =	wrdreg $0xFFFFFFFF  }
0xc1: {  	_ =	task.clear_ibuf [dreg:s6], $0x2FFFF;
	_ =	strace $0x9FFFFFFF  }
0xc2: {  	(tm) =	ssettm $0x7FFFFFFF  }
0xc3: {  	_ =	shalt  }
tec
execute0_lowered:
.L_overlay_start_1:
0x0: {  	(tag) =	ssettag $0x1  }
0x1: {  	s5 =	rddreg [dreg:$0x0]  }
0x2: {  	s1 =	rddreg [dreg:$0x1];
	s3 =	srdreg.scid  }
0x3: {  	s0 =	rddreg [dreg:$0x2];
	s6 =	sand.u32 $0x1, s3  }
0x4: {  	s2 =	simm.s32 $0x0;
	s3 =	stileid.u32;
	s7 =	smul.u32 $0x4F00, s6  }
0x5: {  	s13 =	simm.s32 $0x100;
	s14 =	simm.s32 $0x1;
	s15 =	smul.u32 $0x2780, s3  }
0x6: {  	[smem:$0x7FF] =	sst s2;
	s4 =	sadd.s32 $0x7B000, s5;
	s8 =	smul.u32 $0x27800, s6  }
0x7: {  	_ =	strace $0x8000004A;
	s6 =	ssub.s32 $0x2, s6;
	s10 =	smul.u32 $0x4F000, s3  }
0x8: {  	s30 =	sshll.u32 s3, $0x6;
	s31 =	smul.u32 $0x4F0, s3;
	s28 =	sshrl.u32 s6, $0x1  }
0x9: {  	s9 =	sadd.s32 s7, s5;
	s11 =	sadd.s32 s15, s5;
	s8 =	sadd.s32 s8, s5  }
0xa: {  	s7 =	ssub.s32 s6, s28;
	s29 =	sshrl.u32 s10, $0x2;
	s6 =	sor.u32 $0x1C02, s30  }
0xb: {  	s12 =	sadd.s32 s29, s1;
	s5 =	sadd.s32 $0x2C600, s11;
	s16 =	sadd.s32 $0xA2800, s8  }
0xc: {  	s7 =	smax.u32 s7, $0x1;
	s9 =	sadd.s32 s31, s9;
	s11 =	simm.s32 $0x2  }
0xd: {  	s8 =	sadd.s32 $0x18800, s9;
	s9 =	sadd.s32 $0x4A00, s9;
	s10 =	sshrl.u32 s12, $0x3  }
0xe: {  	s12 =	simm.s32 $0x80;
	s15 =	sadd.s32 s15, s16;
	s16 =	simm.s32 $0x0  }
.LBB2_1:
0xf: {  	[spmem:s10], [sflag:s6] =	dma.local [hbm:s5], $0x2780  }
0x10: {  	_ =	swait.ge [sflag:s11], $0x2780  }
0x11: {  	[sflag:s11] =	ssyncset.done $0x0  }
0x12: {  	[sflag:s11] =	ssyncadd.s32 $0xFFFFD880  }
0x13: {  	s17 =	sadd.s32 $0x0, s9;
	[bflag:$0x0] =	sbarrier.arrive $0xFFFF  }
0x14: {  	[tilespmem:s2], [sflag:$0x2] =	stream.linear.gather [hbm4b:s17+s2], $0x80, $0x38;
	[tilespmem:$0x17D00] =	vst v63  }
0x15: {  	_ =	swait.ge [sflag:s11], $0x80  }
0x16: {  	[sflag:s11] =	ssyncset.done $0x0  }
0x17: {  	s31 =	sadd.s32 $0x0, s8;
	[sflag:s11] =	ssyncadd.s32 $0xFFFFFF80  }
0x18: {  	[tilespmem:s12], [sflag:$0x2] =	stream.linear.gather [hbm4b:s31+s2], $0x80, $0x38;
	[tilespmem:$0x17D00] =	vst v63  }
0x19: {  	_ =	swait.ge [sflag:s11], $0x80  }
0x1a: {  	[sflag:s11] =	ssyncset.done $0x0  }
0x1b: {  	[sflag:s11] =	ssyncadd.s32 $0xFFFFFF80  }
0x1c: {  	[tilespmem:s13], [sflag:$0x1] =	stream.indirect.gather [hbm4b:s4+s12], $0x80, s2, s12, $0xb8;
	[tilespmem:$0x17D00] =	vst v63  }
0x1d: {  	_ =	swait.ge [sflag:s14], $0x4000  }
0x1e: {  	[sflag:s14] =	ssyncset.done $0x0  }
0x1f: {  	[sflag:s14] =	ssyncadd.s32 $0xFFFFC000  }
0x20: {  	[spmem:s1] =	stream.indirect.scatter.add.f32 [tilespmem:s13], [sflag:$0x2], $0x80, s12, s12, $0xb8;
	[tilespmem:$0x17D00] =	vst v63  }
0x21: {  	_ =	swait.ge [sflag:s11], $0x4000  }
0x22: {  	s18 =	simm.s32 $0x20;
	s17 =	simm.s32 $0x10;
	[sflag:s11] =	ssyncset.done $0x0  }
.LBB2_2:
0x23: {  	s19 =	sadd.s32 s17, s9  }
0x24: {  	[sflag:s11] =	ssyncadd.s32 $0xFFFFC000;
	s20 =	smov.u32 s18;
	s21 =	sadd.s32 $0x10, s18  }
0x25: {  	[tilespmem:s2], [sflag:$0x2] =	stream.linear.gather [hbm4b:s19+s2], $0x80, $0x38;
	[tilespmem:$0x17D00] =	vst v63  }
0x26: {  	p0 =	sne.s32 s18, $0x4E0;
	_ =	swait.ge [sflag:s11], $0x80  }
0x27: {  	[sflag:s11] =	ssyncset.done $0x0  }
0x28: {  	s18 =	sadd.s32 s17, s8;
	s17 =	smov.u32 s20;
	[sflag:s11] =	ssyncadd.s32 $0xFFFFFF80  }
0x29: {  	[tilespmem:s12], [sflag:$0x2] =	stream.linear.gather [hbm4b:s18+s2], $0x80, $0x38;
	[tilespmem:$0x17D00] =	vst v63  }
0x2a: {  	_ =	swait.ge [sflag:s11], $0x80  }
0x2b: {  	[sflag:s11] =	ssyncset.done $0x0  }
0x2c: {  	[sflag:s11] =	ssyncadd.s32 $0xFFFFFF80  }
0x2d: {  	[tilespmem:s13], [sflag:$0x1] =	stream.indirect.gather [hbm4b:s4+s12], $0x80, s2, s12, $0xb8;
	[tilespmem:$0x17D00] =	vst v63  }
0x2e: {  	_ =	swait.ge [sflag:s14], $0x4000  }
.Ltmp0:
0x2f: {  	[sflag:s14] =	ssyncset.done $0x0;
	(pc) =	sbr.rel @p0 .LBB2_2-.Ltmp0, $4  }
0x30: {  	[sflag:s14] =	ssyncadd.s32 $0xFFFFC000  }
0x31: {  	[spmem:s1] =	stream.indirect.scatter.add.f32 [tilespmem:s13], [sflag:$0x2], $0x80, s12, s12, $0xb8;
	[tilespmem:$0x17D00] =	vst v63  }
0x32: {  	_ =	swait.ge [sflag:s11], $0x4000  }
0x33: {  	s18 =	smov.u32 s21;
	[sflag:s11] =	ssyncset.done $0x0  }
0x34: {  	s18 =	sadd.s32 s17, s9;
	[sflag:s11] =	ssyncadd.s32 $0xFFFFC000  }
0x35: {  	[tilespmem:s2], [sflag:$0x2] =	stream.linear.gather [hbm4b:s18+s2], $0x80, $0x38;
	[tilespmem:$0x17D00] =	vst v63  }
0x36: {  	_ =	swait.ge [sflag:s11], $0x80  }
0x37: {  	[sflag:s11] =	ssyncset.done $0x0  }
0x38: {  	s31 =	sadd.s32 s17, s8;
	[sflag:s11] =	ssyncadd.s32 $0xFFFFFF80  }
0x39: {  	[tilespmem:s12], [sflag:$0x2] =	stream.linear.gather [hbm4b:s31+s2], $0x80, $0x38;
	[tilespmem:$0x17D00] =	vst v63  }
0x3a: {  	_ =	swait.ge [sflag:s11], $0x80  }
0x3b: {  	[sflag:s11] =	ssyncset.done $0x0  }
0x3c: {  	[sflag:s11] =	ssyncadd.s32 $0xFFFFFF80  }
0x3d: {  	[tilespmem:s13], [sflag:$0x1] =	stream.indirect.gather [hbm4b:s4+s12], $0x80, s2, s12, $0xb8;
	[tilespmem:$0x17D00] =	vst v63  }
0x3e: {  	_ =	swait.ge [sflag:s14], $0x4000  }
0x3f: {  	[sflag:s14] =	ssyncset.done $0x0  }
0x40: {  	[sflag:s14] =	ssyncadd.s32 $0xFFFFC000  }
0x41: {  	[spmem:s1] =	stream.indirect.scatter.add.f32 [tilespmem:s13], [sflag:$0x2], $0x80, s12, s12, $0xb8;
	[tilespmem:$0x17D00] =	vst v63  }
0x42: {  	_ =	swait.ge [sflag:s11], $0x4000  }
0x43: {  	s16 =	sadd.s32 $0x1, s16;
	[sflag:s11] =	ssyncset.done $0x0  }
0x44: {  	p0 =	sne.s32 s16, s7;
	[sflag:s11] =	ssyncadd.s32 $0xFFFFC000  }
.Ltmp1:
0x45: {  	[bflag:$0x0] =	sbarrier.arrive $0xFFFF;
	(pc) =	sbr.rel @p0 .LBB2_1-.Ltmp1, $4  }
0x46: {  	[hbm:s15], [sflag:s6] =	dma.local [spmem:s10], $0x2780  }
0x47: {  	_ =	swait.ge [sflag:s11], $0x2780  }
0x48: {  	[sflag:s11] =	ssyncset.done $0x0  }
0x49: {  	[sflag:s11] =	ssyncadd.s32 $0xFFFFD880  }
0x4a: {  	_ =	sfence.sel $0x180000  }
0x4b: {  	[bflag:$0x0] =	sbarrier.arrive $0xFFFF  }
0x4c: {  	p0 =	sne.s32 s3, $0x0;
	_ =	strace $0x9000004A  }
0x4d: {  	s0 =	sadd.s32 @!p0 $0x100000, s0;
	[bflag:$0x2] =	sbarrier.arrive $0xFFFF  }
0x4e: {  	[sflag:s0] =	ssyncadd.tile.s32 @!p0 $0x1;
	_ =	shalt  }
.Lfunc_end2:
_tile_overlayer_lowered:
.L_overlay_start_2:
0x4f: {  	(tag) =	ssettag $0x2  }
0x50: {  	s0 =	rddreg [dreg:$0x0];
	s2 =	stileid.u32  }
0x51: {  	s1 =	rddreg [dreg:$0x1];
	p0 =	sne.s32 s2, $0x0  }
0x52: {  	s3 =	rddreg [dreg:$0x2];
	[bflag:$0x3] =	sbarrier.arrive $0xFFFF;
	s2 =	simm.s32 @!p0 $0x1C02  }
0x53: {  	[timem:s3], [sflag:s2] =	dma.local @!p0 [hbm:s0], s1  }
0x54: {  	s0 =	simm.s32 @!p0 $0x2  }
0x55: {  	_ =	swait.ge @!p0 [sflag:s0], s1  }
0x56: {  	s1 =	ssub.s32 @!p0 $0x0, s1;
	[sflag:s0] =	ssyncset.done @!p0 $0x0  }
0x57: {  	[sflag:s0] =	ssyncadd.s32 @!p0 s1  }
0x58: {  	[bflag:$0x3] =	sbarrier.arrive $0xFFFF  }
0x59: {  	_ =	shalt  }

// kernel: kernel.23.cloned.1.call-start
scs
__scs_entry_jumppad:
0x0: {  	(pc) =	sbr.rel $0x88, $3  }
0x1: {  	(tag) =	ssettag $0x0;
	lr =	simm.s32 $0x1  }
0x2: {  	[smem:$0x3F94] =	sst lr;
	_ =	strace $0xD0000000  }
0x3: {  	_ = 	snop  }
0x4: {  	_ = 	snop  }
0x5: {  	_ = 	snop  }
0x6: {  	_ = 	snop  }
0x7: {  	_ = 	snop  }
__scs_overlays_trampoline_lowered:
0x8: {  	[smem:$0x3FA3] =	sst s0  }
0x9: {  	[smem:$0x3FA4] =	sst s1  }
0xa: {  	[smem:$0x3FA5] =	sst s2  }
0xb: {  	[smem:$0x3FA6] =	sst s3  }
0xc: {  	[smem:$0x3FA7] =	sst s4  }
0xd: {  	[smem:$0x3FA8] =	sst s5  }
0xe: {  	[smem:$0x3FA9] =	sst s6  }
0xf: {  	[smem:$0x3FAA] =	sst s7  }
0x10: {  	[smem:$0x3FAB] =	sst s8  }
0x11: {  	[smem:$0x3FAC] =	sst s9;
	s0 =	simm.s32 @!p0 $0x0  }
0x12: {  	s1 =	sld [smem:$0x3F92];
	s0 =	simm.s32 @p0 $0x1  }
0x13: {  	[smem:$0x3FAD] =	sst s0;
	s0 =	simm.s32 @!p1 $0x0  }
0x14: {  	s2 =	sld [smem:$0x3F91];
	s0 =	simm.s32 @p1 $0x1  }
0x15: {  	[smem:$0x3FAE] =	sst s0;
	s0 =	simm.s32 @!p2 $0x0  }
0x16: {  	s3 =	sld [smem:$0x3FDB];
	s0 =	simm.s32 @p2 $0x1  }
0x17: {  	s4 =	simm.s32 $0x1BF5;
	[smem:$0x3FB0] =	sst s0  }
0x18: {  	s0 =	sld [smem:$0x3F93];
	_ =	swait.ge [sflag:s4], $0x0  }
0x19: {  	s7 =	sld [smem:$0x3F94]  }
0x1a: {  	s8 =	sadd.s32 $0xFFFFE003, lr  }
0x1b: {  	s9 =	sadd.s32 $0xFFFFFEF7, lr;
	s5 =	simm.s32 $0xFFFFFFFF;
	p2 =	slt.u32 s8, $0xFFFFF086  }
0x1c: {  	p1 =	slt.u32 s9, $0xF7A;
	s5 =	simm.s32 @!p2 $0x0  }
0x1d: {  	s5 =	simm.s32 @p1 $0x1;
	p0 =	seq.s32 s7, s2  }
0x1e: {  	s7 =	smul.u32 @!p0 $0xF7A, s2;
	p2 =	seq.s32 @!p0 s5, $0x0  }
0x1f: {  	s9 =	smul.u32 $0xF7A, s1;
	s8 =	simm.s32 @!p0 $0x1BF5;
	p2 =	por !p2, p0  }
0x20: {  	[sflag:s8] =	ssyncset.s32 @!p0 $0xFFFFF086;
	s6 =	sadd.s32 @!p0 s3, s7;
	s7 =	simm.s32 @!p0 $0x108  }
0x21: {  	s3 =	sadd.s32 s3, s9;
	s6 =	sadd.s32 @!p0 $0x88, s6;
	s7 =	simm.s32 @p2 $0x1082  }
0x22: {  	[simem:s7], [sflag:s8] =	dma.local @!p0 [hbm:s6], $0xF7A  }
0x23: {  	s9 =	sor.u32 $0xD0000000, s2;
	s6 =	simm.s32 $0x108;
	_ =	swait.ge @!p0 [sflag:s8], $0x0  }
0x24: {  	s3 =	sadd.s32 $0x88, s3;
	s6 =	simm.s32 @!p1 $0x1082;
	[sflag:s4] =	ssyncset.s32 $0xFFFFF086  }
0x25: {  	[simem:s6], [sflag:s4] =	dma.local [hbm:s3], $0xF7A  }
0x26: {  	[smem:$0x3F94] =	sst s1;
	(tag) =	ssettag s2;
	_ =	strace s9  }
0x27: {  	s1 =	sld [smem:$0x3FA4]  }
0x28: {  	s2 =	sld [smem:$0x3FA5]  }
0x29: {  	s4 =	sld [smem:$0x3FA7]  }
0x2a: {  	p0 =	seq.s32 s5, $0x0;
	s5 =	sld [smem:$0x3FA8]  }
0x2b: {  	s6 =	sld [smem:$0x3FA9]  }
0x2c: {  	s7 =	sld [smem:$0x3FAA]  }
0x2d: {  	s3 =	simm.s32 $0x108;
	s8 =	sld [smem:$0x3FAB]  }
0x2e: {  	s3 =	simm.s32 @!p0 $0x1082;
	s9 =	sld [smem:$0x3FAC]  }
0x2f: {  	lr =	sadd.s32 s0, s3;
	s0 =	sld [smem:$0x3FA3]  }
0x30: {  	s3 =	sld [smem:$0x3FA6]  }
0x31: {  	[smem:$0x3FAF] =	sst s10  }
0x32: {  	s10 =	sld [smem:$0x3FAD];
	_ =	sdelay $0x3  }
0x33: {  	p0 =	seq.s32 s10, $0x1;
	s10 =	sld [smem:$0x3FAF];
	_ =	sdelay $0x3  }
0x34: {  	[smem:$0x3FAF] =	sst s10  }
0x35: {  	s10 =	sld [smem:$0x3FAE];
	_ =	sdelay $0x3  }
0x36: {  	p1 =	seq.s32 s10, $0x1;
	s10 =	sld [smem:$0x3FAF];
	_ =	sdelay $0x3  }
0x37: {  	[smem:$0x3FAF] =	sst s10  }
0x38: {  	s10 =	sld [smem:$0x3FB0]  }
0x39: {  	_ = 	snop;
	(pc) =	sbr.ind lr, $3  }
0x3a: {  	_ = 	snop  }
0x3b: {  	_ = 	snop  }
0x3c: {  	p2 =	seq.s32 s10, $0x1;
	s10 =	sld [smem:$0x3FAF]  }
0x3d: {  	_ =	shalt  }
0x3e: {  	_ =	shalt  }
0x3f: {  	_ =	shalt  }
0x40: {  	_ =	shalt  }
0x41: {  	_ =	shalt  }
0x42: {  	_ =	shalt  }
0x43: {  	_ =	shalt  }
0x44: {  	_ =	shalt  }
0x45: {  	_ =	shalt  }
0x46: {  	_ =	shalt  }
0x47: {  	_ =	shalt  }
0x48: {  	_ =	shalt  }
0x49: {  	_ =	shalt  }
0x4a: {  	_ =	shalt  }
0x4b: {  	_ =	shalt  }
0x4c: {  	_ =	shalt  }
0x4d: {  	_ =	shalt  }
0x4e: {  	_ =	shalt  }
0x4f: {  	_ =	shalt  }
0x50: {  	_ =	shalt  }
0x51: {  	_ =	shalt  }
0x52: {  	_ =	shalt  }
0x53: {  	_ =	shalt  }
0x54: {  	_ =	shalt  }
0x55: {  	_ =	shalt  }
0x56: {  	_ =	shalt  }
0x57: {  	_ =	shalt  }
0x58: {  	_ =	shalt  }
0x59: {  	_ =	shalt  }
0x5a: {  	_ =	shalt  }
0x5b: {  	_ =	shalt  }
0x5c: {  	_ =	shalt  }
0x5d: {  	_ =	shalt  }
0x5e: {  	_ =	shalt  }
0x5f: {  	_ =	shalt  }
0x60: {  	_ =	shalt  }
0x61: {  	_ =	shalt  }
0x62: {  	_ =	shalt  }
0x63: {  	_ =	shalt  }
0x64: {  	_ =	shalt  }
0x65: {  	_ =	shalt  }
0x66: {  	_ =	shalt  }
0x67: {  	_ =	shalt  }
0x68: {  	_ =	shalt  }
0x69: {  	_ =	shalt  }
0x6a: {  	_ =	shalt  }
0x6b: {  	_ =	shalt  }
0x6c: {  	_ =	shalt  }
0x6d: {  	_ =	shalt  }
0x6e: {  	_ =	shalt  }
0x6f: {  	_ =	shalt  }
0x70: {  	_ =	shalt  }
0x71: {  	_ =	shalt  }
0x72: {  	_ =	shalt  }
0x73: {  	_ =	shalt  }
0x74: {  	_ =	shalt  }
0x75: {  	_ =	shalt  }
0x76: {  	_ =	shalt  }
0x77: {  	_ =	shalt  }
0x78: {  	_ =	shalt  }
0x79: {  	_ =	shalt  }
0x7a: {  	_ =	shalt  }
0x7b: {  	_ =	shalt  }
0x7c: {  	_ =	shalt  }
0x7d: {  	_ =	shalt  }
0x7e: {  	_ =	shalt  }
0x7f: {  	_ =	shalt  }
0x80: {  	_ =	shalt  }
0x81: {  	_ =	shalt  }
0x82: {  	_ =	shalt  }
0x83: {  	_ =	shalt  }
0x84: {  	_ =	shalt  }
0x85: {  	_ =	shalt  }
0x86: {  	_ =	shalt  }
0x87: {  	_ =	shalt  }
.Lfunc_end0:
.L_simem_size_0:
called_computation.2_lowered:
.L_overlay_start_0:
0x88: {  	s2 =	sld [smem:$0x3FD9]  }
0x89: {  	s3 =	sld [smem:$0x3FFE];
	_ =	sdelay $0x1  }
0x8a: {  	s1 =	srdreg.scid  }
0x8b: {  	s0 =	sand.u32 $0x1, s1  }
0x8c: {  	s16 =	sshll.u32 s0, $0xA;
	s2 =	sadd.s32 s3, s2  }
0x8d: {  	s2 =	sadd.s32 s2, s16  }
0x8e: {  	[smem:$0x3FBB] =	sst s2  }
0x8f: {  	_ = 	snop  }
0x90: {  	(tm) =	ssettm $0x1  }
0x91: {  	s17 =	sld [smem:$0x3FFB];
	_ =	sdelay $0x3  }
0x92: {  	_ =	strace s17  }
0x93: {  	s2 =	sld [smem:$0x3FFC];
	_ =	sdelay $0x3  }
0x94: {  	_ =	strace s2  }
0x95: {  	s2 =	sld [smem:$0x3FFD];
	_ =	sdelay $0x3  }
0x96: {  	_ =	strace s2  }
0x97: {  	_ =	strace $0x8FFFFFFF  }
0x98: {  	s18 =	sld [smem:$0x3FDB];
	_ =	sdelay $0x1  }
0x99: {  	s19 =	simm.s32 $_scs_section_size  }
0x9a: {  	s4 =	simm.s32 $_size__tile_overlayer_lowered;
	s5 =	simm.s32 $_tile_overlayer_lowered  }
0x9b: {  	s22 =	simm.s32 $0x1BFF;
	s21 =	sshll.u32 s5, $0x1;
	s2 =	sadd.s32 s19, s18  }
0x9c: {  	s6 =	simm.s32 $0x0;
	s20 =	sshll.u32 s4, $0x1;
	s4 =	sadd.s32 s21, s2  }
0x9d: {  	[timem:s6], [sflag:s22] =	dma.local [hbm:s4], s20  }
0x9e: {  	_ =	swait.ge [sflag:s22], s20  }
0x9f: {  	s3 =	ssub.s32 $0x0, s20;
	[sflag:s22] =	ssyncset.done $0x0  }
0xa0: {  	[sflag:s22] =	ssyncadd.s32 s3;
	_ =	sdelay $0x1  }
0xa1: {  	s23 =	simm.s32 $0x1B8B  }
0xa2: {  	_ =	swait.ge [sflag:s23], $0x1  }
0xa3: {  	[sflag:s23] =	ssyncset.done $0x0  }
0xa4: {  	s25 =	simm.s32 $0x1B8E;
	s24 =	sld [smem:$0x3FFE];
	[sflag:s23] =	ssyncadd.s32 $0xFFFFFFFF  }
0xa5: {  	s26 =	simm.s32 $execute0_lowered;
	[smem:$0x3FD2] =	sst s25  }
0xa6: {  	s4 =	sshll.u32 s26, $0x1;
	_ =	strace $0x8000004C;
	[dreg:$0x1] =	wrdreg $0xFFFFFFFF  }
0xa7: {  	s28 =	simm.s32 $_size_execute0_lowered;
	s2 =	sadd.s32 s2, s4;
	[dreg:$0x0] =	wrdreg $0x0  }
0xa8: {  	s4 =	sshll.u32 s28, $0x1;
	[dreg:$0x2] =	wrdreg s2  }
0xa9: {  	[dreg:$0x3] =	wrdreg s4  }
0xaa: {  	[dreg:$0x4] =	wrdreg $0xC0  }
0xab: {  	_ =	task [dreg:s6], $0x5FFFF  }
0xac: {  	[dreg:$0x1] =	wrdreg $0xFFFFFFFF  }
0xad: {  	[dreg:$0x0] =	wrdreg $0x60  }
0xae: {  	[dreg:$0x2] =	wrdreg s24  }
0xaf: {  	[dreg:$0x3] =	wrdreg $0x41000  }
0xb0: {  	[dreg:$0x4] =	wrdreg $0x9  }
0xb1: {  	_ =	task.clear_ibuf [dreg:s6], $0x5FFFF;
	_ =	strace $0x9000004C  }
0xb2: {  	s29 =	simm.s32 $0x9;
	_ =	strace $0x8000004E  }
0xb3: {  	_ =	swait.ge [sflag:s29], $0x1  }
0xb4: {  	[sflag:s29] =	ssyncadd.s32 $0xFFFFFFFF  }
0xb5: {  	_ =	strace $0x9000004E  }
0xb6: {  	_ =	sfence  }
0xb7: {  	s30 =	sld [smem:$0x0];
	_ =	sdelay $0x2  }
0xb8: {  	s31 =	sshll.u32 s1, $0xD;
	s1 =	sshrl.u32 s1, $0x2  }
0xb9: {  	s3 =	sand.u32 $0x4000, s31;
	s1 =	sadd.s32 s1, s30  }
0xba: {  	s0 =	sor.u32 s3, s0;
	s1 =	sshll.u32 s1, $0x11  }
0xbb: {  	s0 =	sor.u32 s1, s0  }
0xbc: {  	s0 =	sadd.s32 $0x8F2B, s0  }
0xbd: {  	[sflag:s0] =	ssyncadd.remote.s32 $0x1  }
0xbe: {  	_ =	sfence.sel $0xFFFF  }
0xbf: {  	[dreg:$0x0] =	wrdreg $0xFFFFFFFF;
	(pc) =	sbr.abs _section_cstart, $3  }
0xc0: {  	[dreg:$0x1] =	wrdreg $0xFFFFFFFF  }
0xc1: {  	_ =	task.clear_ibuf [dreg:s6], $0x2FFFF;
	_ =	strace $0x9FFFFFFF  }
0xc2: {  	(tm) =	ssettm $0x7FFFFFFF  }
0xc3: {  	_ =	shalt  }
tec
execute0_lowered:
.L_overlay_start_1:
0x0: {  	(tag) =	ssettag $0x1  }
0x1: {  	s5 =	rddreg [dreg:$0x0]  }
0x2: {  	s1 =	rddreg [dreg:$0x1];
	s3 =	srdreg.scid  }
0x3: {  	s0 =	rddreg [dreg:$0x2];
	s6 =	sand.u32 $0x1, s3  }
0x4: {  	s2 =	simm.s32 $0x0;
	s3 =	stileid.u32;
	s7 =	smul.u32 $0x4F00, s6  }
0x5: {  	s13 =	simm.s32 $0x100;
	s14 =	simm.s32 $0x1;
	s15 =	smul.u32 $0x2780, s3  }
0x6: {  	[smem:$0x7FF] =	sst s2;
	s4 =	sadd.s32 $0x7B000, s5;
	s8 =	smul.u32 $0x27800, s6  }
0x7: {  	_ =	strace $0x8000004D;
	s6 =	ssub.s32 $0x2, s6;
	s10 =	smul.u32 $0x4F000, s3  }
0x8: {  	s30 =	sshll.u32 s3, $0x6;
	s31 =	smul.u32 $0x4F0, s3;
	s28 =	sshrl.u32 s6, $0x1  }
0x9: {  	s9 =	sadd.s32 s7, s5;
	s11 =	sadd.s32 s15, s5;
	s8 =	sadd.s32 s8, s5  }
0xa: {  	s7 =	ssub.s32 s6, s28;
	s29 =	sshrl.u32 s10, $0x2;
	s6 =	sor.u32 $0x1C02, s30  }
0xb: {  	s12 =	sadd.s32 s29, s1;
	s5 =	sadd.s32 $0x2C600, s11;
	s16 =	sadd.s32 $0xA2800, s8  }
0xc: {  	s7 =	smax.u32 s7, $0x1;
	s9 =	sadd.s32 s31, s9;
	s11 =	simm.s32 $0x2  }
0xd: {  	s8 =	sadd.s32 $0x18800, s9;
	s9 =	sadd.s32 $0x4A00, s9;
	s10 =	sshrl.u32 s12, $0x3  }
0xe: {  	s12 =	simm.s32 $0x80;
	s15 =	sadd.s32 s15, s16;
	s16 =	simm.s32 $0x0  }
.LBB2_1:
0xf: {  	[spmem:s10], [sflag:s6] =	dma.local [hbm:s5], $0x2780  }
0x10: {  	_ =	swait.ge [sflag:s11], $0x2780  }
0x11: {  	[sflag:s11] =	ssyncset.done $0x0  }
0x12: {  	[sflag:s11] =	ssyncadd.s32 $0xFFFFD880  }
0x13: {  	s17 =	sadd.s32 $0x0, s9;
	[bflag:$0x0] =	sbarrier.arrive $0xFFFF  }
0x14: {  	[tilespmem:s2], [sflag:$0x2] =	stream.linear.gather [hbm4b:s17+s2], $0x80, $0x38;
	[tilespmem:$0x17D00] =	vst v63  }
0x15: {  	_ =	swait.ge [sflag:s11], $0x80  }
0x16: {  	[sflag:s11] =	ssyncset.done $0x0  }
0x17: {  	s31 =	sadd.s32 $0x0, s8;
	[sflag:s11] =	ssyncadd.s32 $0xFFFFFF80  }
0x18: {  	[tilespmem:s12], [sflag:$0x2] =	stream.linear.gather [hbm4b:s31+s2], $0x80, $0x38;
	[tilespmem:$0x17D00] =	vst v63  }
0x19: {  	_ =	swait.ge [sflag:s11], $0x80  }
0x1a: {  	[sflag:s11] =	ssyncset.done $0x0  }
0x1b: {  	[sflag:s11] =	ssyncadd.s32 $0xFFFFFF80  }
0x1c: {  	[tilespmem:s13], [sflag:$0x1] =	stream.indirect.gather [hbm4b:s4+s12], $0x80, s2, s12, $0xb8;
	[tilespmem:$0x17D00] =	vst v63  }
0x1d: {  	_ =	swait.ge [sflag:s14], $0x4000  }
0x1e: {  	[sflag:s14] =	ssyncset.done $0x0  }
0x1f: {  	[sflag:s14] =	ssyncadd.s32 $0xFFFFC000  }
0x20: {  	[spmem:s1] =	stream.indirect.scatter.add.f32 [tilespmem:s13], [sflag:$0x2], $0x80, s12, s12, $0xb8;
	[tilespmem:$0x17D00] =	vst v63  }
0x21: {  	_ =	swait.ge [sflag:s11], $0x4000  }
0x22: {  	s18 =	simm.s32 $0x20;
	s17 =	simm.s32 $0x10;
	[sflag:s11] =	ssyncset.done $0x0  }
.LBB2_2:
0x23: {  	s19 =	sadd.s32 s17, s9  }
0x24: {  	[sflag:s11] =	ssyncadd.s32 $0xFFFFC000;
	s20 =	smov.u32 s18;
	s21 =	sadd.s32 $0x10, s18  }
0x25: {  	[tilespmem:s2], [sflag:$0x2] =	stream.linear.gather [hbm4b:s19+s2], $0x80, $0x38;
	[tilespmem:$0x17D00] =	vst v63  }
0x26: {  	p0 =	sne.s32 s18, $0x4E0;
	_ =	swait.ge [sflag:s11], $0x80  }
0x27: {  	[sflag:s11] =	ssyncset.done $0x0  }
0x28: {  	s18 =	sadd.s32 s17, s8;
	s17 =	smov.u32 s20;
	[sflag:s11] =	ssyncadd.s32 $0xFFFFFF80  }
0x29: {  	[tilespmem:s12], [sflag:$0x2] =	stream.linear.gather [hbm4b:s18+s2], $0x80, $0x38;
	[tilespmem:$0x17D00] =	vst v63  }
0x2a: {  	_ =	swait.ge [sflag:s11], $0x80  }
0x2b: {  	[sflag:s11] =	ssyncset.done $0x0  }
0x2c: {  	[sflag:s11] =	ssyncadd.s32 $0xFFFFFF80  }
0x2d: {  	[tilespmem:s13], [sflag:$0x1] =	stream.indirect.gather [hbm4b:s4+s12], $0x80, s2, s12, $0xb8;
	[tilespmem:$0x17D00] =	vst v63  }
0x2e: {  	_ =	swait.ge [sflag:s14], $0x4000  }
.Ltmp0:
0x2f: {  	[sflag:s14] =	ssyncset.done $0x0;
	(pc) =	sbr.rel @p0 .LBB2_2-.Ltmp0, $4  }
0x30: {  	[sflag:s14] =	ssyncadd.s32 $0xFFFFC000  }
0x31: {  	[spmem:s1] =	stream.indirect.scatter.add.f32 [tilespmem:s13], [sflag:$0x2], $0x80, s12, s12, $0xb8;
	[tilespmem:$0x17D00] =	vst v63  }
0x32: {  	_ =	swait.ge [sflag:s11], $0x4000  }
0x33: {  	s18 =	smov.u32 s21;
	[sflag:s11] =	ssyncset.done $0x0  }
0x34: {  	s18 =	sadd.s32 s17, s9;
	[sflag:s11] =	ssyncadd.s32 $0xFFFFC000  }
0x35: {  	[tilespmem:s2], [sflag:$0x2] =	stream.linear.gather [hbm4b:s18+s2], $0x80, $0x38;
	[tilespmem:$0x17D00] =	vst v63  }
0x36: {  	_ =	swait.ge [sflag:s11], $0x80  }
0x37: {  	[sflag:s11] =	ssyncset.done $0x0  }
0x38: {  	s31 =	sadd.s32 s17, s8;
	[sflag:s11] =	ssyncadd.s32 $0xFFFFFF80  }
0x39: {  	[tilespmem:s12], [sflag:$0x2] =	stream.linear.gather [hbm4b:s31+s2], $0x80, $0x38;
	[tilespmem:$0x17D00] =	vst v63  }
0x3a: {  	_ =	swait.ge [sflag:s11], $0x80  }
0x3b: {  	[sflag:s11] =	ssyncset.done $0x0  }
0x3c: {  	[sflag:s11] =	ssyncadd.s32 $0xFFFFFF80  }
0x3d: {  	[tilespmem:s13], [sflag:$0x1] =	stream.indirect.gather [hbm4b:s4+s12], $0x80, s2, s12, $0xb8;
	[tilespmem:$0x17D00] =	vst v63  }
0x3e: {  	_ =	swait.ge [sflag:s14], $0x4000  }
0x3f: {  	[sflag:s14] =	ssyncset.done $0x0  }
0x40: {  	[sflag:s14] =	ssyncadd.s32 $0xFFFFC000  }
0x41: {  	[spmem:s1] =	stream.indirect.scatter.add.f32 [tilespmem:s13], [sflag:$0x2], $0x80, s12, s12, $0xb8;
	[tilespmem:$0x17D00] =	vst v63  }
0x42: {  	_ =	swait.ge [sflag:s11], $0x4000  }
0x43: {  	s16 =	sadd.s32 $0x1, s16;
	[sflag:s11] =	ssyncset.done $0x0  }
0x44: {  	p0 =	sne.s32 s16, s7;
	[sflag:s11] =	ssyncadd.s32 $0xFFFFC000  }
.Ltmp1:
0x45: {  	[bflag:$0x0] =	sbarrier.arrive $0xFFFF;
	(pc) =	sbr.rel @p0 .LBB2_1-.Ltmp1, $4  }
0x46: {  	[hbm:s15], [sflag:s6] =	dma.local [spmem:s10], $0x2780  }
0x47: {  	_ =	swait.ge [sflag:s11], $0x2780  }
0x48: {  	[sflag:s11] =	ssyncset.done $0x0  }
0x49: {  	[sflag:s11] =	ssyncadd.s32 $0xFFFFD880  }
0x4a: {  	_ =	sfence.sel $0x180000  }
0x4b: {  	[bflag:$0x0] =	sbarrier.arrive $0xFFFF  }
0x4c: {  	p0 =	sne.s32 s3, $0x0;
	_ =	strace $0x9000004D  }
0x4d: {  	s0 =	sadd.s32 @!p0 $0x100000, s0;
	[bflag:$0x2] =	sbarrier.arrive $0xFFFF  }
0x4e: {  	[sflag:s0] =	ssyncadd.tile.s32 @!p0 $0x1;
	_ =	shalt  }
.Lfunc_end2:
_tile_overlayer_lowered:
.L_overlay_start_2:
0x4f: {  	(tag) =	ssettag $0x2  }
0x50: {  	s0 =	rddreg [dreg:$0x0];
	s2 =	stileid.u32  }
0x51: {  	s1 =	rddreg [dreg:$0x1];
	p0 =	sne.s32 s2, $0x0  }
0x52: {  	s3 =	rddreg [dreg:$0x2];
	[bflag:$0x3] =	sbarrier.arrive $0xFFFF;
	s2 =	simm.s32 @!p0 $0x1C02  }
0x53: {  	[timem:s3], [sflag:s2] =	dma.local @!p0 [hbm:s0], s1  }
0x54: {  	s0 =	simm.s32 @!p0 $0x2  }
0x55: {  	_ =	swait.ge @!p0 [sflag:s0], s1  }
0x56: {  	s1 =	ssub.s32 @!p0 $0x0, s1;
	[sflag:s0] =	ssyncset.done @!p0 $0x0  }
0x57: {  	[sflag:s0] =	ssyncadd.s32 @!p0 s1  }
0x58: {  	[bflag:$0x3] =	sbarrier.arrive $0xFFFF  }
0x59: {  	_ =	shalt  }

// kernel: kernel.26.cloned.1.call-start
scs
__scs_entry_jumppad:
0x0: {  	(pc) =	sbr.rel $0x88, $3  }
0x1: {  	(tag) =	ssettag $0x0;
	lr =	simm.s32 $0x1  }
0x2: {  	[smem:$0x3F94] =	sst lr;
	_ =	strace $0xD0000000  }
0x3: {  	_ = 	snop  }
0x4: {  	_ = 	snop  }
0x5: {  	_ = 	snop  }
0x6: {  	_ = 	snop  }
0x7: {  	_ = 	snop  }
__scs_overlays_trampoline_lowered:
0x8: {  	[smem:$0x3FA3] =	sst s0  }
0x9: {  	[smem:$0x3FA4] =	sst s1  }
0xa: {  	[smem:$0x3FA5] =	sst s2  }
0xb: {  	[smem:$0x3FA6] =	sst s3  }
0xc: {  	[smem:$0x3FA7] =	sst s4  }
0xd: {  	[smem:$0x3FA8] =	sst s5  }
0xe: {  	[smem:$0x3FA9] =	sst s6  }
0xf: {  	[smem:$0x3FAA] =	sst s7  }
0x10: {  	[smem:$0x3FAB] =	sst s8  }
0x11: {  	[smem:$0x3FAC] =	sst s9;
	s0 =	simm.s32 @!p0 $0x0  }
0x12: {  	s1 =	sld [smem:$0x3F92];
	s0 =	simm.s32 @p0 $0x1  }
0x13: {  	[smem:$0x3FAD] =	sst s0;
	s0 =	simm.s32 @!p1 $0x0  }
0x14: {  	s2 =	sld [smem:$0x3F91];
	s0 =	simm.s32 @p1 $0x1  }
0x15: {  	[smem:$0x3FAE] =	sst s0;
	s0 =	simm.s32 @!p2 $0x0  }
0x16: {  	s3 =	sld [smem:$0x3FDB];
	s0 =	simm.s32 @p2 $0x1  }
0x17: {  	s4 =	simm.s32 $0x1BF5;
	[smem:$0x3FB0] =	sst s0  }
0x18: {  	s0 =	sld [smem:$0x3F93];
	_ =	swait.ge [sflag:s4], $0x0  }
0x19: {  	s7 =	sld [smem:$0x3F94]  }
0x1a: {  	s8 =	sadd.s32 $0xFFFFE003, lr  }
0x1b: {  	s9 =	sadd.s32 $0xFFFFFEF7, lr;
	s5 =	simm.s32 $0xFFFFFFFF;
	p2 =	slt.u32 s8, $0xFFFFF086  }
0x1c: {  	p1 =	slt.u32 s9, $0xF7A;
	s5 =	simm.s32 @!p2 $0x0  }
0x1d: {  	s5 =	simm.s32 @p1 $0x1;
	p0 =	seq.s32 s7, s2  }
0x1e: {  	s7 =	smul.u32 @!p0 $0xF7A, s2;
	p2 =	seq.s32 @!p0 s5, $0x0  }
0x1f: {  	s9 =	smul.u32 $0xF7A, s1;
	s8 =	simm.s32 @!p0 $0x1BF5;
	p2 =	por !p2, p0  }
0x20: {  	[sflag:s8] =	ssyncset.s32 @!p0 $0xFFFFF086;
	s6 =	sadd.s32 @!p0 s3, s7;
	s7 =	simm.s32 @!p0 $0x108  }
0x21: {  	s3 =	sadd.s32 s3, s9;
	s6 =	sadd.s32 @!p0 $0x88, s6;
	s7 =	simm.s32 @p2 $0x1082  }
0x22: {  	[simem:s7], [sflag:s8] =	dma.local @!p0 [hbm:s6], $0xF7A  }
0x23: {  	s9 =	sor.u32 $0xD0000000, s2;
	s6 =	simm.s32 $0x108;
	_ =	swait.ge @!p0 [sflag:s8], $0x0  }
0x24: {  	s3 =	sadd.s32 $0x88, s3;
	s6 =	simm.s32 @!p1 $0x1082;
	[sflag:s4] =	ssyncset.s32 $0xFFFFF086  }
0x25: {  	[simem:s6], [sflag:s4] =	dma.local [hbm:s3], $0xF7A  }
0x26: {  	[smem:$0x3F94] =	sst s1;
	(tag) =	ssettag s2;
	_ =	strace s9  }
0x27: {  	s1 =	sld [smem:$0x3FA4]  }
0x28: {  	s2 =	sld [smem:$0x3FA5]  }
0x29: {  	s4 =	sld [smem:$0x3FA7]  }
0x2a: {  	p0 =	seq.s32 s5, $0x0;
	s5 =	sld [smem:$0x3FA8]  }
0x2b: {  	s6 =	sld [smem:$0x3FA9]  }
0x2c: {  	s7 =	sld [smem:$0x3FAA]  }
0x2d: {  	s3 =	simm.s32 $0x108;
	s8 =	sld [smem:$0x3FAB]  }
0x2e: {  	s3 =	simm.s32 @!p0 $0x1082;
	s9 =	sld [smem:$0x3FAC]  }
0x2f: {  	lr =	sadd.s32 s0, s3;
	s0 =	sld [smem:$0x3FA3]  }
0x30: {  	s3 =	sld [smem:$0x3FA6]  }
0x31: {  	[smem:$0x3FAF] =	sst s10  }
0x32: {  	s10 =	sld [smem:$0x3FAD];
	_ =	sdelay $0x3  }
0x33: {  	p0 =	seq.s32 s10, $0x1;
	s10 =	sld [smem:$0x3FAF];
	_ =	sdelay $0x3  }
0x34: {  	[smem:$0x3FAF] =	sst s10  }
0x35: {  	s10 =	sld [smem:$0x3FAE];
	_ =	sdelay $0x3  }
0x36: {  	p1 =	seq.s32 s10, $0x1;
	s10 =	sld [smem:$0x3FAF];
	_ =	sdelay $0x3  }
0x37: {  	[smem:$0x3FAF] =	sst s10  }
0x38: {  	s10 =	sld [smem:$0x3FB0]  }
0x39: {  	_ = 	snop;
	(pc) =	sbr.ind lr, $3  }
0x3a: {  	_ = 	snop  }
0x3b: {  	_ = 	snop  }
0x3c: {  	p2 =	seq.s32 s10, $0x1;
	s10 =	sld [smem:$0x3FAF]  }
0x3d: {  	_ =	shalt  }
0x3e: {  	_ =	shalt  }
0x3f: {  	_ =	shalt  }
0x40: {  	_ =	shalt  }
0x41: {  	_ =	shalt  }
0x42: {  	_ =	shalt  }
0x43: {  	_ =	shalt  }
0x44: {  	_ =	shalt  }
0x45: {  	_ =	shalt  }
0x46: {  	_ =	shalt  }
0x47: {  	_ =	shalt  }
0x48: {  	_ =	shalt  }
0x49: {  	_ =	shalt  }
0x4a: {  	_ =	shalt  }
0x4b: {  	_ =	shalt  }
0x4c: {  	_ =	shalt  }
0x4d: {  	_ =	shalt  }
0x4e: {  	_ =	shalt  }
0x4f: {  	_ =	shalt  }
0x50: {  	_ =	shalt  }
0x51: {  	_ =	shalt  }
0x52: {  	_ =	shalt  }
0x53: {  	_ =	shalt  }
0x54: {  	_ =	shalt  }
0x55: {  	_ =	shalt  }
0x56: {  	_ =	shalt  }
0x57: {  	_ =	shalt  }
0x58: {  	_ =	shalt  }
0x59: {  	_ =	shalt  }
0x5a: {  	_ =	shalt  }
0x5b: {  	_ =	shalt  }
0x5c: {  	_ =	shalt  }
0x5d: {  	_ =	shalt  }
0x5e: {  	_ =	shalt  }
0x5f: {  	_ =	shalt  }
0x60: {  	_ =	shalt  }
0x61: {  	_ =	shalt  }
0x62: {  	_ =	shalt  }
0x63: {  	_ =	shalt  }
0x64: {  	_ =	shalt  }
0x65: {  	_ =	shalt  }
0x66: {  	_ =	shalt  }
0x67: {  	_ =	shalt  }
0x68: {  	_ =	shalt  }
0x69: {  	_ =	shalt  }
0x6a: {  	_ =	shalt  }
0x6b: {  	_ =	shalt  }
0x6c: {  	_ =	shalt  }
0x6d: {  	_ =	shalt  }
0x6e: {  	_ =	shalt  }
0x6f: {  	_ =	shalt  }
0x70: {  	_ =	shalt  }
0x71: {  	_ =	shalt  }
0x72: {  	_ =	shalt  }
0x73: {  	_ =	shalt  }
0x74: {  	_ =	shalt  }
0x75: {  	_ =	shalt  }
0x76: {  	_ =	shalt  }
0x77: {  	_ =	shalt  }
0x78: {  	_ =	shalt  }
0x79: {  	_ =	shalt  }
0x7a: {  	_ =	shalt  }
0x7b: {  	_ =	shalt  }
0x7c: {  	_ =	shalt  }
0x7d: {  	_ =	shalt  }
0x7e: {  	_ =	shalt  }
0x7f: {  	_ =	shalt  }
0x80: {  	_ =	shalt  }
0x81: {  	_ =	shalt  }
0x82: {  	_ =	shalt  }
0x83: {  	_ =	shalt  }
0x84: {  	_ =	shalt  }
0x85: {  	_ =	shalt  }
0x86: {  	_ =	shalt  }
0x87: {  	_ =	shalt  }
.Lfunc_end0:
.L_simem_size_0:
called_computation.3_lowered:
.L_overlay_start_0:
0x88: {  	s2 =	sld [smem:$0x3FD9]  }
0x89: {  	s3 =	sld [smem:$0x3FFE];
	_ =	sdelay $0x1  }
0x8a: {  	s1 =	srdreg.scid  }
0x8b: {  	s0 =	sand.u32 $0x1, s1  }
0x8c: {  	s16 =	sshll.u32 s0, $0xA;
	s2 =	sadd.s32 s3, s2  }
0x8d: {  	s2 =	sadd.s32 s2, s16  }
0x8e: {  	[smem:$0x3FBB] =	sst s2  }
0x8f: {  	_ = 	snop  }
0x90: {  	(tm) =	ssettm $0x1  }
0x91: {  	s17 =	sld [smem:$0x3FFB];
	_ =	sdelay $0x3  }
0x92: {  	_ =	strace s17  }
0x93: {  	s2 =	sld [smem:$0x3FFC];
	_ =	sdelay $0x3  }
0x94: {  	_ =	strace s2  }
0x95: {  	s2 =	sld [smem:$0x3FFD];
	_ =	sdelay $0x3  }
0x96: {  	_ =	strace s2  }
0x97: {  	_ =	strace $0x8FFFFFFF  }
0x98: {  	s18 =	sld [smem:$0x3FDB];
	_ =	sdelay $0x1  }
0x99: {  	s19 =	simm.s32 $_scs_section_size  }
0x9a: {  	s4 =	simm.s32 $_size__tile_overlayer_lowered;
	s5 =	simm.s32 $_tile_overlayer_lowered  }
0x9b: {  	s22 =	simm.s32 $0x1BFF;
	s21 =	sshll.u32 s5, $0x1;
	s2 =	sadd.s32 s19, s18  }
0x9c: {  	s6 =	simm.s32 $0x0;
	s20 =	sshll.u32 s4, $0x1;
	s4 =	sadd.s32 s21, s2  }
0x9d: {  	[timem:s6], [sflag:s22] =	dma.local [hbm:s4], s20  }
0x9e: {  	_ =	swait.ge [sflag:s22], s20  }
0x9f: {  	s3 =	ssub.s32 $0x0, s20;
	[sflag:s22] =	ssyncset.done $0x0  }
0xa0: {  	[sflag:s22] =	ssyncadd.s32 s3;
	_ =	sdelay $0x1  }
0xa1: {  	s23 =	simm.s32 $0x1B8B  }
0xa2: {  	_ =	swait.ge [sflag:s23], $0x1  }
0xa3: {  	[sflag:s23] =	ssyncset.done $0x0  }
0xa4: {  	s25 =	simm.s32 $0x1B8E;
	s24 =	sld [smem:$0x3FFE];
	[sflag:s23] =	ssyncadd.s32 $0xFFFFFFFF  }
0xa5: {  	s26 =	simm.s32 $execute0_lowered;
	[smem:$0x3FD2] =	sst s25  }
0xa6: {  	s4 =	sshll.u32 s26, $0x1;
	_ =	strace $0x8000004F;
	[dreg:$0x1] =	wrdreg $0xFFFFFFFF  }
0xa7: {  	s28 =	simm.s32 $_size_execute0_lowered;
	s2 =	sadd.s32 s2, s4;
	[dreg:$0x0] =	wrdreg $0x0  }
0xa8: {  	s4 =	sshll.u32 s28, $0x1;
	[dreg:$0x2] =	wrdreg s2  }
0xa9: {  	[dreg:$0x3] =	wrdreg s4  }
0xaa: {  	[dreg:$0x4] =	wrdreg $0xC0  }
0xab: {  	_ =	task [dreg:s6], $0x5FFFF  }
0xac: {  	[dreg:$0x1] =	wrdreg $0xFFFFFFFF  }
0xad: {  	[dreg:$0x0] =	wrdreg $0x60  }
0xae: {  	[dreg:$0x2] =	wrdreg s24  }
0xaf: {  	[dreg:$0x3] =	wrdreg $0x41000  }
0xb0: {  	[dreg:$0x4] =	wrdreg $0x9  }
0xb1: {  	_ =	task.clear_ibuf [dreg:s6], $0x5FFFF;
	_ =	strace $0x9000004F  }
0xb2: {  	s29 =	simm.s32 $0x9;
	_ =	strace $0x80000051  }
0xb3: {  	_ =	swait.ge [sflag:s29], $0x1  }
0xb4: {  	[sflag:s29] =	ssyncadd.s32 $0xFFFFFFFF  }
0xb5: {  	_ =	strace $0x90000051  }
0xb6: {  	_ =	sfence  }
0xb7: {  	s30 =	sld [smem:$0x0];
	_ =	sdelay $0x2  }
0xb8: {  	s31 =	sshll.u32 s1, $0xD;
	s1 =	sshrl.u32 s1, $0x2  }
0xb9: {  	s3 =	sand.u32 $0x4000, s31;
	s1 =	sadd.s32 s1, s30  }
0xba: {  	s0 =	sor.u32 s3, s0;
	s1 =	sshll.u32 s1, $0x11  }
0xbb: {  	s0 =	sor.u32 s1, s0  }
0xbc: {  	s0 =	sadd.s32 $0x8F2B, s0  }
0xbd: {  	[sflag:s0] =	ssyncadd.remote.s32 $0x1  }
0xbe: {  	_ =	sfence.sel $0xFFFF  }
0xbf: {  	[dreg:$0x0] =	wrdreg $0xFFFFFFFF;
	(pc) =	sbr.abs _section_cstart, $3  }
0xc0: {  	[dreg:$0x1] =	wrdreg $0xFFFFFFFF  }
0xc1: {  	_ =	task.clear_ibuf [dreg:s6], $0x2FFFF;
	_ =	strace $0x9FFFFFFF  }
0xc2: {  	(tm) =	ssettm $0x7FFFFFFF  }
0xc3: {  	_ =	shalt  }
tec
execute0_lowered:
.L_overlay_start_1:
0x0: {  	(tag) =	ssettag $0x1  }
0x1: {  	s5 =	rddreg [dreg:$0x0]  }
0x2: {  	s1 =	rddreg [dreg:$0x1];
	s3 =	srdreg.scid  }
0x3: {  	s0 =	rddreg [dreg:$0x2];
	s6 =	sand.u32 $0x1, s3  }
0x4: {  	s2 =	simm.s32 $0x0;
	s3 =	stileid.u32;
	s7 =	smul.u32 $0x4F00, s6  }
0x5: {  	s13 =	simm.s32 $0x100;
	s14 =	simm.s32 $0x1;
	s15 =	smul.u32 $0x2780, s3  }
0x6: {  	[smem:$0x7FF] =	sst s2;
	s4 =	sadd.s32 $0x7B000, s5;
	s8 =	smul.u32 $0x27800, s6  }
0x7: {  	_ =	strace $0x80000050;
	s6 =	ssub.s32 $0x2, s6;
	s10 =	smul.u32 $0x4F000, s3  }
0x8: {  	s30 =	sshll.u32 s3, $0x6;
	s31 =	smul.u32 $0x4F0, s3;
	s28 =	sshrl.u32 s6, $0x1  }
0x9: {  	s9 =	sadd.s32 s7, s5;
	s11 =	sadd.s32 s15, s5;
	s8 =	sadd.s32 s8, s5  }
0xa: {  	s7 =	ssub.s32 s6, s28;
	s29 =	sshrl.u32 s10, $0x2;
	s6 =	sor.u32 $0x1C02, s30  }
0xb: {  	s12 =	sadd.s32 s29, s1;
	s5 =	sadd.s32 $0x2C600, s11;
	s16 =	sadd.s32 $0xA2800, s8  }
0xc: {  	s7 =	smax.u32 s7, $0x1;
	s9 =	sadd.s32 s31, s9;
	s11 =	simm.s32 $0x2  }
0xd: {  	s8 =	sadd.s32 $0x18800, s9;
	s9 =	sadd.s32 $0x4A00, s9;
	s10 =	sshrl.u32 s12, $0x3  }
0xe: {  	s12 =	simm.s32 $0x80;
	s15 =	sadd.s32 s15, s16;
	s16 =	simm.s32 $0x0  }
.LBB2_1:
0xf: {  	[spmem:s10], [sflag:s6] =	dma.local [hbm:s5], $0x2780  }
0x10: {  	_ =	swait.ge [sflag:s11], $0x2780  }
0x11: {  	[sflag:s11] =	ssyncset.done $0x0  }
0x12: {  	[sflag:s11] =	ssyncadd.s32 $0xFFFFD880  }
0x13: {  	s17 =	sadd.s32 $0x0, s9;
	[bflag:$0x0] =	sbarrier.arrive $0xFFFF  }
0x14: {  	[tilespmem:s2], [sflag:$0x2] =	stream.linear.gather [hbm4b:s17+s2], $0x80, $0x38;
	[tilespmem:$0x17D00] =	vst v63  }
0x15: {  	_ =	swait.ge [sflag:s11], $0x80  }
0x16: {  	[sflag:s11] =	ssyncset.done $0x0  }
0x17: {  	s31 =	sadd.s32 $0x0, s8;
	[sflag:s11] =	ssyncadd.s32 $0xFFFFFF80  }
0x18: {  	[tilespmem:s12], [sflag:$0x2] =	stream.linear.gather [hbm4b:s31+s2], $0x80, $0x38;
	[tilespmem:$0x17D00] =	vst v63  }
0x19: {  	_ =	swait.ge [sflag:s11], $0x80  }
0x1a: {  	[sflag:s11] =	ssyncset.done $0x0  }
0x1b: {  	[sflag:s11] =	ssyncadd.s32 $0xFFFFFF80  }
0x1c: {  	[tilespmem:s13], [sflag:$0x1] =	stream.indirect.gather [hbm4b:s4+s12], $0x80, s2, s12, $0xb8;
	[tilespmem:$0x17D00] =	vst v63  }
0x1d: {  	_ =	swait.ge [sflag:s14], $0x4000  }
0x1e: {  	[sflag:s14] =	ssyncset.done $0x0  }
0x1f: {  	[sflag:s14] =	ssyncadd.s32 $0xFFFFC000  }
0x20: {  	[spmem:s1] =	stream.indirect.scatter.add.f32 [tilespmem:s13], [sflag:$0x2], $0x80, s12, s12, $0xb8;
	[tilespmem:$0x17D00] =	vst v63  }
0x21: {  	_ =	swait.ge [sflag:s11], $0x4000  }
0x22: {  	s18 =	simm.s32 $0x20;
	s17 =	simm.s32 $0x10;
	[sflag:s11] =	ssyncset.done $0x0  }
.LBB2_2:
0x23: {  	s19 =	sadd.s32 s17, s9  }
0x24: {  	[sflag:s11] =	ssyncadd.s32 $0xFFFFC000;
	s20 =	smov.u32 s18;
	s21 =	sadd.s32 $0x10, s18  }
0x25: {  	[tilespmem:s2], [sflag:$0x2] =	stream.linear.gather [hbm4b:s19+s2], $0x80, $0x38;
	[tilespmem:$0x17D00] =	vst v63  }
0x26: {  	p0 =	sne.s32 s18, $0x4E0;
	_ =	swait.ge [sflag:s11], $0x80  }
0x27: {  	[sflag:s11] =	ssyncset.done $0x0  }
0x28: {  	s18 =	sadd.s32 s17, s8;
	s17 =	smov.u32 s20;
	[sflag:s11] =	ssyncadd.s32 $0xFFFFFF80  }
0x29: {  	[tilespmem:s12], [sflag:$0x2] =	stream.linear.gather [hbm4b:s18+s2], $0x80, $0x38;
	[tilespmem:$0x17D00] =	vst v63  }
0x2a: {  	_ =	swait.ge [sflag:s11], $0x80  }
0x2b: {  	[sflag:s11] =	ssyncset.done $0x0  }
0x2c: {  	[sflag:s11] =	ssyncadd.s32 $0xFFFFFF80  }
0x2d: {  	[tilespmem:s13], [sflag:$0x1] =	stream.indirect.gather [hbm4b:s4+s12], $0x80, s2, s12, $0xb8;
	[tilespmem:$0x17D00] =	vst v63  }
0x2e: {  	_ =	swait.ge [sflag:s14], $0x4000  }
.Ltmp0:
0x2f: {  	[sflag:s14] =	ssyncset.done $0x0;
	(pc) =	sbr.rel @p0 .LBB2_2-.Ltmp0, $4  }
0x30: {  	[sflag:s14] =	ssyncadd.s32 $0xFFFFC000  }
0x31: {  	[spmem:s1] =	stream.indirect.scatter.add.f32 [tilespmem:s13], [sflag:$0x2], $0x80, s12, s12, $0xb8;
	[tilespmem:$0x17D00] =	vst v63  }
0x32: {  	_ =	swait.ge [sflag:s11], $0x4000  }
0x33: {  	s18 =	smov.u32 s21;
	[sflag:s11] =	ssyncset.done $0x0  }
0x34: {  	s18 =	sadd.s32 s17, s9;
	[sflag:s11] =	ssyncadd.s32 $0xFFFFC000  }
0x35: {  	[tilespmem:s2], [sflag:$0x2] =	stream.linear.gather [hbm4b:s18+s2], $0x80, $0x38;
	[tilespmem:$0x17D00] =	vst v63  }
0x36: {  	_ =	swait.ge [sflag:s11], $0x80  }
0x37: {  	[sflag:s11] =	ssyncset.done $0x0  }
0x38: {  	s31 =	sadd.s32 s17, s8;
	[sflag:s11] =	ssyncadd.s32 $0xFFFFFF80  }
0x39: {  	[tilespmem:s12], [sflag:$0x2] =	stream.linear.gather [hbm4b:s31+s2], $0x80, $0x38;
	[tilespmem:$0x17D00] =	vst v63  }
0x3a: {  	_ =	swait.ge [sflag:s11], $0x80  }
0x3b: {  	[sflag:s11] =	ssyncset.done $0x0  }
0x3c: {  	[sflag:s11] =	ssyncadd.s32 $0xFFFFFF80  }
0x3d: {  	[tilespmem:s13], [sflag:$0x1] =	stream.indirect.gather [hbm4b:s4+s12], $0x80, s2, s12, $0xb8;
	[tilespmem:$0x17D00] =	vst v63  }
0x3e: {  	_ =	swait.ge [sflag:s14], $0x4000  }
0x3f: {  	[sflag:s14] =	ssyncset.done $0x0  }
0x40: {  	[sflag:s14] =	ssyncadd.s32 $0xFFFFC000  }
0x41: {  	[spmem:s1] =	stream.indirect.scatter.add.f32 [tilespmem:s13], [sflag:$0x2], $0x80, s12, s12, $0xb8;
	[tilespmem:$0x17D00] =	vst v63  }
0x42: {  	_ =	swait.ge [sflag:s11], $0x4000  }
0x43: {  	s16 =	sadd.s32 $0x1, s16;
	[sflag:s11] =	ssyncset.done $0x0  }
0x44: {  	p0 =	sne.s32 s16, s7;
	[sflag:s11] =	ssyncadd.s32 $0xFFFFC000  }
.Ltmp1:
0x45: {  	[bflag:$0x0] =	sbarrier.arrive $0xFFFF;
	(pc) =	sbr.rel @p0 .LBB2_1-.Ltmp1, $4  }
0x46: {  	[hbm:s15], [sflag:s6] =	dma.local [spmem:s10], $0x2780  }
0x47: {  	_ =	swait.ge [sflag:s11], $0x2780  }
0x48: {  	[sflag:s11] =	ssyncset.done $0x0  }
0x49: {  	[sflag:s11] =	ssyncadd.s32 $0xFFFFD880  }
0x4a: {  	_ =	sfence.sel $0x180000  }
0x4b: {  	[bflag:$0x0] =	sbarrier.arrive $0xFFFF  }
0x4c: {  	p0 =	sne.s32 s3, $0x0;
	_ =	strace $0x90000050  }
0x4d: {  	s0 =	sadd.s32 @!p0 $0x100000, s0;
	[bflag:$0x2] =	sbarrier.arrive $0xFFFF  }
0x4e: {  	[sflag:s0] =	ssyncadd.tile.s32 @!p0 $0x1;
	_ =	shalt  }
.Lfunc_end2:
_tile_overlayer_lowered:
.L_overlay_start_2:
0x4f: {  	(tag) =	ssettag $0x2  }
0x50: {  	s0 =	rddreg [dreg:$0x0];
	s2 =	stileid.u32  }
0x51: {  	s1 =	rddreg [dreg:$0x1];
	p0 =	sne.s32 s2, $0x0  }
0x52: {  	s3 =	rddreg [dreg:$0x2];
	[bflag:$0x3] =	sbarrier.arrive $0xFFFF;
	s2 =	simm.s32 @!p0 $0x1C02  }
0x53: {  	[timem:s3], [sflag:s2] =	dma.local @!p0 [hbm:s0], s1  }
0x54: {  	s0 =	simm.s32 @!p0 $0x2  }
0x55: {  	_ =	swait.ge @!p0 [sflag:s0], s1  }
0x56: {  	s1 =	ssub.s32 @!p0 $0x0, s1;
	[sflag:s0] =	ssyncset.done @!p0 $0x0  }
0x57: {  	[sflag:s0] =	ssyncadd.s32 @!p0 s1  }
0x58: {  	[bflag:$0x3] =	sbarrier.arrive $0xFFFF  }
0x59: {  	_ =	shalt  }

// kernel: kernel.29.cloned.1.call-start
scs
__scs_entry_jumppad:
0x0: {  	(pc) =	sbr.rel $0x88, $3  }
0x1: {  	(tag) =	ssettag $0x0;
	lr =	simm.s32 $0x1  }
0x2: {  	[smem:$0x3F94] =	sst lr;
	_ =	strace $0xD0000000  }
0x3: {  	_ = 	snop  }
0x4: {  	_ = 	snop  }
0x5: {  	_ = 	snop  }
0x6: {  	_ = 	snop  }
0x7: {  	_ = 	snop  }
__scs_overlays_trampoline_lowered:
0x8: {  	[smem:$0x3FA3] =	sst s0  }
0x9: {  	[smem:$0x3FA4] =	sst s1  }
0xa: {  	[smem:$0x3FA5] =	sst s2  }
0xb: {  	[smem:$0x3FA6] =	sst s3  }
0xc: {  	[smem:$0x3FA7] =	sst s4  }
0xd: {  	[smem:$0x3FA8] =	sst s5  }
0xe: {  	[smem:$0x3FA9] =	sst s6  }
0xf: {  	[smem:$0x3FAA] =	sst s7  }
0x10: {  	[smem:$0x3FAB] =	sst s8  }
0x11: {  	[smem:$0x3FAC] =	sst s9;
	s0 =	simm.s32 @!p0 $0x0  }
0x12: {  	s1 =	sld [smem:$0x3F92];
	s0 =	simm.s32 @p0 $0x1  }
0x13: {  	[smem:$0x3FAD] =	sst s0;
	s0 =	simm.s32 @!p1 $0x0  }
0x14: {  	s2 =	sld [smem:$0x3F91];
	s0 =	simm.s32 @p1 $0x1  }
0x15: {  	[smem:$0x3FAE] =	sst s0;
	s0 =	simm.s32 @!p2 $0x0  }
0x16: {  	s3 =	sld [smem:$0x3FDB];
	s0 =	simm.s32 @p2 $0x1  }
0x17: {  	s4 =	simm.s32 $0x1BF5;
	[smem:$0x3FB0] =	sst s0  }
0x18: {  	s0 =	sld [smem:$0x3F93];
	_ =	swait.ge [sflag:s4], $0x0  }
0x19: {  	s7 =	sld [smem:$0x3F94]  }
0x1a: {  	s8 =	sadd.s32 $0xFFFFE003, lr  }
0x1b: {  	s9 =	sadd.s32 $0xFFFFFEF7, lr;
	s5 =	simm.s32 $0xFFFFFFFF;
	p2 =	slt.u32 s8, $0xFFFFF086  }
0x1c: {  	p1 =	slt.u32 s9, $0xF7A;
	s5 =	simm.s32 @!p2 $0x0  }
0x1d: {  	s5 =	simm.s32 @p1 $0x1;
	p0 =	seq.s32 s7, s2  }
0x1e: {  	s7 =	smul.u32 @!p0 $0xF7A, s2;
	p2 =	seq.s32 @!p0 s5, $0x0  }
0x1f: {  	s9 =	smul.u32 $0xF7A, s1;
	s8 =	simm.s32 @!p0 $0x1BF5;
	p2 =	por !p2, p0  }
0x20: {  	[sflag:s8] =	ssyncset.s32 @!p0 $0xFFFFF086;
	s6 =	sadd.s32 @!p0 s3, s7;
	s7 =	simm.s32 @!p0 $0x108  }
0x21: {  	s3 =	sadd.s32 s3, s9;
	s6 =	sadd.s32 @!p0 $0x88, s6;
	s7 =	simm.s32 @p2 $0x1082  }
0x22: {  	[simem:s7], [sflag:s8] =	dma.local @!p0 [hbm:s6], $0xF7A  }
0x23: {  	s9 =	sor.u32 $0xD0000000, s2;
	s6 =	simm.s32 $0x108;
	_ =	swait.ge @!p0 [sflag:s8], $0x0  }
0x24: {  	s3 =	sadd.s32 $0x88, s3;
	s6 =	simm.s32 @!p1 $0x1082;
	[sflag:s4] =	ssyncset.s32 $0xFFFFF086  }
0x25: {  	[simem:s6], [sflag:s4] =	dma.local [hbm:s3], $0xF7A  }
0x26: {  	[smem:$0x3F94] =	sst s1;
	(tag) =	ssettag s2;
	_ =	strace s9  }
0x27: {  	s1 =	sld [smem:$0x3FA4]  }
0x28: {  	s2 =	sld [smem:$0x3FA5]  }
0x29: {  	s4 =	sld [smem:$0x3FA7]  }
0x2a: {  	p0 =	seq.s32 s5, $0x0;
	s5 =	sld [smem:$0x3FA8]  }
0x2b: {  	s6 =	sld [smem:$0x3FA9]  }
0x2c: {  	s7 =	sld [smem:$0x3FAA]  }
0x2d: {  	s3 =	simm.s32 $0x108;
	s8 =	sld [smem:$0x3FAB]  }
0x2e: {  	s3 =	simm.s32 @!p0 $0x1082;
	s9 =	sld [smem:$0x3FAC]  }
0x2f: {  	lr =	sadd.s32 s0, s3;
	s0 =	sld [smem:$0x3FA3]  }
0x30: {  	s3 =	sld [smem:$0x3FA6]  }
0x31: {  	[smem:$0x3FAF] =	sst s10  }
0x32: {  	s10 =	sld [smem:$0x3FAD];
	_ =	sdelay $0x3  }
0x33: {  	p0 =	seq.s32 s10, $0x1;
	s10 =	sld [smem:$0x3FAF];
	_ =	sdelay $0x3  }
0x34: {  	[smem:$0x3FAF] =	sst s10  }
0x35: {  	s10 =	sld [smem:$0x3FAE];
	_ =	sdelay $0x3  }
0x36: {  	p1 =	seq.s32 s10, $0x1;
	s10 =	sld [smem:$0x3FAF];
	_ =	sdelay $0x3  }
0x37: {  	[smem:$0x3FAF] =	sst s10  }
0x38: {  	s10 =	sld [smem:$0x3FB0]  }
0x39: {  	_ = 	snop;
	(pc) =	sbr.ind lr, $3  }
0x3a: {  	_ = 	snop  }
0x3b: {  	_ = 	snop  }
0x3c: {  	p2 =	seq.s32 s10, $0x1;
	s10 =	sld [smem:$0x3FAF]  }
0x3d: {  	_ =	shalt  }
0x3e: {  	_ =	shalt  }
0x3f: {  	_ =	shalt  }
0x40: {  	_ =	shalt  }
0x41: {  	_ =	shalt  }
0x42: {  	_ =	shalt  }
0x43: {  	_ =	shalt  }
0x44: {  	_ =	shalt  }
0x45: {  	_ =	shalt  }
0x46: {  	_ =	shalt  }
0x47: {  	_ =	shalt  }
0x48: {  	_ =	shalt  }
0x49: {  	_ =	shalt  }
0x4a: {  	_ =	shalt  }
0x4b: {  	_ =	shalt  }
0x4c: {  	_ =	shalt  }
0x4d: {  	_ =	shalt  }
0x4e: {  	_ =	shalt  }
0x4f: {  	_ =	shalt  }
0x50: {  	_ =	shalt  }
0x51: {  	_ =	shalt  }
0x52: {  	_ =	shalt  }
0x53: {  	_ =	shalt  }
0x54: {  	_ =	shalt  }
0x55: {  	_ =	shalt  }
0x56: {  	_ =	shalt  }
0x57: {  	_ =	shalt  }
0x58: {  	_ =	shalt  }
0x59: {  	_ =	shalt  }
0x5a: {  	_ =	shalt  }
0x5b: {  	_ =	shalt  }
0x5c: {  	_ =	shalt  }
0x5d: {  	_ =	shalt  }
0x5e: {  	_ =	shalt  }
0x5f: {  	_ =	shalt  }
0x60: {  	_ =	shalt  }
0x61: {  	_ =	shalt  }
0x62: {  	_ =	shalt  }
0x63: {  	_ =	shalt  }
0x64: {  	_ =	shalt  }
0x65: {  	_ =	shalt  }
0x66: {  	_ =	shalt  }
0x67: {  	_ =	shalt  }
0x68: {  	_ =	shalt  }
0x69: {  	_ =	shalt  }
0x6a: {  	_ =	shalt  }
0x6b: {  	_ =	shalt  }
0x6c: {  	_ =	shalt  }
0x6d: {  	_ =	shalt  }
0x6e: {  	_ =	shalt  }
0x6f: {  	_ =	shalt  }
0x70: {  	_ =	shalt  }
0x71: {  	_ =	shalt  }
0x72: {  	_ =	shalt  }
0x73: {  	_ =	shalt  }
0x74: {  	_ =	shalt  }
0x75: {  	_ =	shalt  }
0x76: {  	_ =	shalt  }
0x77: {  	_ =	shalt  }
0x78: {  	_ =	shalt  }
0x79: {  	_ =	shalt  }
0x7a: {  	_ =	shalt  }
0x7b: {  	_ =	shalt  }
0x7c: {  	_ =	shalt  }
0x7d: {  	_ =	shalt  }
0x7e: {  	_ =	shalt  }
0x7f: {  	_ =	shalt  }
0x80: {  	_ =	shalt  }
0x81: {  	_ =	shalt  }
0x82: {  	_ =	shalt  }
0x83: {  	_ =	shalt  }
0x84: {  	_ =	shalt  }
0x85: {  	_ =	shalt  }
0x86: {  	_ =	shalt  }
0x87: {  	_ =	shalt  }
.Lfunc_end0:
.L_simem_size_0:
called_computation.4_lowered:
.L_overlay_start_0:
0x88: {  	s2 =	sld [smem:$0x3FD9]  }
0x89: {  	s3 =	sld [smem:$0x3FFE];
	_ =	sdelay $0x1  }
0x8a: {  	s1 =	srdreg.scid  }
0x8b: {  	s0 =	sand.u32 $0x1, s1  }
0x8c: {  	s16 =	sshll.u32 s0, $0xA;
	s2 =	sadd.s32 s3, s2  }
0x8d: {  	s2 =	sadd.s32 s2, s16  }
0x8e: {  	[smem:$0x3FBB] =	sst s2  }
0x8f: {  	_ = 	snop  }
0x90: {  	(tm) =	ssettm $0x1  }
0x91: {  	s17 =	sld [smem:$0x3FFB];
	_ =	sdelay $0x3  }
0x92: {  	_ =	strace s17  }
0x93: {  	s2 =	sld [smem:$0x3FFC];
	_ =	sdelay $0x3  }
0x94: {  	_ =	strace s2  }
0x95: {  	s2 =	sld [smem:$0x3FFD];
	_ =	sdelay $0x3  }
0x96: {  	_ =	strace s2  }
0x97: {  	_ =	strace $0x8FFFFFFF  }
0x98: {  	s18 =	sld [smem:$0x3FDB];
	_ =	sdelay $0x1  }
0x99: {  	s19 =	simm.s32 $_scs_section_size  }
0x9a: {  	s4 =	simm.s32 $_size__tile_overlayer_lowered;
	s5 =	simm.s32 $_tile_overlayer_lowered  }
0x9b: {  	s22 =	simm.s32 $0x1BFF;
	s21 =	sshll.u32 s5, $0x1;
	s2 =	sadd.s32 s19, s18  }
0x9c: {  	s6 =	simm.s32 $0x0;
	s20 =	sshll.u32 s4, $0x1;
	s4 =	sadd.s32 s21, s2  }
0x9d: {  	[timem:s6], [sflag:s22] =	dma.local [hbm:s4], s20  }
0x9e: {  	_ =	swait.ge [sflag:s22], s20  }
0x9f: {  	s3 =	ssub.s32 $0x0, s20;
	[sflag:s22] =	ssyncset.done $0x0  }
0xa0: {  	[sflag:s22] =	ssyncadd.s32 s3;
	_ =	sdelay $0x1  }
0xa1: {  	s23 =	simm.s32 $0x1B8B  }
0xa2: {  	_ =	swait.ge [sflag:s23], $0x1  }
0xa3: {  	[sflag:s23] =	ssyncset.done $0x0  }
0xa4: {  	s25 =	simm.s32 $0x1B8E;
	s24 =	sld [smem:$0x3FFE];
	[sflag:s23] =	ssyncadd.s32 $0xFFFFFFFF  }
0xa5: {  	s26 =	simm.s32 $execute0_lowered;
	[smem:$0x3FD2] =	sst s25  }
0xa6: {  	s4 =	sshll.u32 s26, $0x1;
	_ =	strace $0x80000052;
	[dreg:$0x1] =	wrdreg $0xFFFFFFFF  }
0xa7: {  	s28 =	simm.s32 $_size_execute0_lowered;
	s2 =	sadd.s32 s2, s4;
	[dreg:$0x0] =	wrdreg $0x0  }
0xa8: {  	s4 =	sshll.u32 s28, $0x1;
	[dreg:$0x2] =	wrdreg s2  }
0xa9: {  	[dreg:$0x3] =	wrdreg s4  }
0xaa: {  	[dreg:$0x4] =	wrdreg $0xC0  }
0xab: {  	_ =	task [dreg:s6], $0x5FFFF  }
0xac: {  	[dreg:$0x1] =	wrdreg $0xFFFFFFFF  }
0xad: {  	[dreg:$0x0] =	wrdreg $0x60  }
0xae: {  	[dreg:$0x2] =	wrdreg s24  }
0xaf: {  	[dreg:$0x3] =	wrdreg $0x41000  }
0xb0: {  	[dreg:$0x4] =	wrdreg $0x9  }
0xb1: {  	_ =	task.clear_ibuf [dreg:s6], $0x5FFFF;
	_ =	strace $0x90000052  }
0xb2: {  	s29 =	simm.s32 $0x9;
	_ =	strace $0x80000054  }
0xb3: {  	_ =	swait.ge [sflag:s29], $0x1  }
0xb4: {  	[sflag:s29] =	ssyncadd.s32 $0xFFFFFFFF  }
0xb5: {  	_ =	strace $0x90000054  }
0xb6: {  	_ =	sfence  }
0xb7: {  	s30 =	sld [smem:$0x0];
	_ =	sdelay $0x2  }
0xb8: {  	s31 =	sshll.u32 s1, $0xD;
	s1 =	sshrl.u32 s1, $0x2  }
0xb9: {  	s3 =	sand.u32 $0x4000, s31;
	s1 =	sadd.s32 s1, s30  }
0xba: {  	s0 =	sor.u32 s3, s0;
	s1 =	sshll.u32 s1, $0x11  }
0xbb: {  	s0 =	sor.u32 s1, s0  }
0xbc: {  	s0 =	sadd.s32 $0x8F2B, s0  }
0xbd: {  	[sflag:s0] =	ssyncadd.remote.s32 $0x1  }
0xbe: {  	_ =	sfence.sel $0xFFFF  }
0xbf: {  	[dreg:$0x0] =	wrdreg $0xFFFFFFFF;
	(pc) =	sbr.abs _section_cstart, $3  }
0xc0: {  	[dreg:$0x1] =	wrdreg $0xFFFFFFFF  }
0xc1: {  	_ =	task.clear_ibuf [dreg:s6], $0x2FFFF;
	_ =	strace $0x9FFFFFFF  }
0xc2: {  	(tm) =	ssettm $0x7FFFFFFF  }
0xc3: {  	_ =	shalt  }
tec
execute0_lowered:
.L_overlay_start_1:
0x0: {  	(tag) =	ssettag $0x1  }
0x1: {  	s5 =	rddreg [dreg:$0x0]  }
0x2: {  	s1 =	rddreg [dreg:$0x1];
	s3 =	srdreg.scid  }
0x3: {  	s0 =	rddreg [dreg:$0x2];
	s6 =	sand.u32 $0x1, s3  }
0x4: {  	s2 =	simm.s32 $0x0;
	s3 =	stileid.u32;
	s7 =	smul.u32 $0x4F00, s6  }
0x5: {  	s13 =	simm.s32 $0x100;
	s14 =	simm.s32 $0x1;
	s15 =	smul.u32 $0x2780, s3  }
0x6: {  	[smem:$0x7FF] =	sst s2;
	s4 =	sadd.s32 $0x7B000, s5;
	s8 =	smul.u32 $0x27800, s6  }
0x7: {  	_ =	strace $0x80000053;
	s6 =	ssub.s32 $0x2, s6;
	s10 =	smul.u32 $0x4F000, s3  }
0x8: {  	s30 =	sshll.u32 s3, $0x6;
	s31 =	smul.u32 $0x4F0, s3;
	s28 =	sshrl.u32 s6, $0x1  }
0x9: {  	s9 =	sadd.s32 s7, s5;
	s11 =	sadd.s32 s15, s5;
	s8 =	sadd.s32 s8, s5  }
0xa: {  	s7 =	ssub.s32 s6, s28;
	s29 =	sshrl.u32 s10, $0x2;
	s6 =	sor.u32 $0x1C02, s30  }
0xb: {  	s12 =	sadd.s32 s29, s1;
	s5 =	sadd.s32 $0x2C600, s11;
	s16 =	sadd.s32 $0xA2800, s8  }
0xc: {  	s7 =	smax.u32 s7, $0x1;
	s9 =	sadd.s32 s31, s9;
	s11 =	simm.s32 $0x2  }
0xd: {  	s8 =	sadd.s32 $0x18800, s9;
	s9 =	sadd.s32 $0x4A00, s9;
	s10 =	sshrl.u32 s12, $0x3  }
0xe: {  	s12 =	simm.s32 $0x80;
	s15 =	sadd.s32 s15, s16;
	s16 =	simm.s32 $0x0  }
.LBB2_1:
0xf: {  	[spmem:s10], [sflag:s6] =	dma.local [hbm:s5], $0x2780  }
0x10: {  	_ =	swait.ge [sflag:s11], $0x2780  }
0x11: {  	[sflag:s11] =	ssyncset.done $0x0  }
0x12: {  	[sflag:s11] =	ssyncadd.s32 $0xFFFFD880  }
0x13: {  	s17 =	sadd.s32 $0x0, s9;
	[bflag:$0x0] =	sbarrier.arrive $0xFFFF  }
0x14: {  	[tilespmem:s2], [sflag:$0x2] =	stream.linear.gather [hbm4b:s17+s2], $0x80, $0x38;
	[tilespmem:$0x17D00] =	vst v63  }
0x15: {  	_ =	swait.ge [sflag:s11], $0x80  }
0x16: {  	[sflag:s11] =	ssyncset.done $0x0  }
0x17: {  	s31 =	sadd.s32 $0x0, s8;
	[sflag:s11] =	ssyncadd.s32 $0xFFFFFF80  }
0x18: {  	[tilespmem:s12], [sflag:$0x2] =	stream.linear.gather [hbm4b:s31+s2], $0x80, $0x38;
	[tilespmem:$0x17D00] =	vst v63  }
0x19: {  	_ =	swait.ge [sflag:s11], $0x80  }
0x1a: {  	[sflag:s11] =	ssyncset.done $0x0  }
0x1b: {  	[sflag:s11] =	ssyncadd.s32 $0xFFFFFF80  }
0x1c: {  	[tilespmem:s13], [sflag:$0x1] =	stream.indirect.gather [hbm4b:s4+s12], $0x80, s2, s12, $0xb8;
	[tilespmem:$0x17D00] =	vst v63  }
0x1d: {  	_ =	swait.ge [sflag:s14], $0x4000  }
0x1e: {  	[sflag:s14] =	ssyncset.done $0x0  }
0x1f: {  	[sflag:s14] =	ssyncadd.s32 $0xFFFFC000  }
0x20: {  	[spmem:s1] =	stream.indirect.scatter.add.f32 [tilespmem:s13], [sflag:$0x2], $0x80, s12, s12, $0xb8;
	[tilespmem:$0x17D00] =	vst v63  }
0x21: {  	_ =	swait.ge [sflag:s11], $0x4000  }
0x22: {  	s18 =	simm.s32 $0x20;
	s17 =	simm.s32 $0x10;
	[sflag:s11] =	ssyncset.done $0x0  }
.LBB2_2:
0x23: {  	s19 =	sadd.s32 s17, s9  }
0x24: {  	[sflag:s11] =	ssyncadd.s32 $0xFFFFC000;
	s20 =	smov.u32 s18;
	s21 =	sadd.s32 $0x10, s18  }
0x25: {  	[tilespmem:s2], [sflag:$0x2] =	stream.linear.gather [hbm4b:s19+s2], $0x80, $0x38;
	[tilespmem:$0x17D00] =	vst v63  }
0x26: {  	p0 =	sne.s32 s18, $0x4E0;
	_ =	swait.ge [sflag:s11], $0x80  }
0x27: {  	[sflag:s11] =	ssyncset.done $0x0  }
0x28: {  	s18 =	sadd.s32 s17, s8;
	s17 =	smov.u32 s20;
	[sflag:s11] =	ssyncadd.s32 $0xFFFFFF80  }
0x29: {  	[tilespmem:s12], [sflag:$0x2] =	stream.linear.gather [hbm4b:s18+s2], $0x80, $0x38;
	[tilespmem:$0x17D00] =	vst v63  }
0x2a: {  	_ =	swait.ge [sflag:s11], $0x80  }
0x2b: {  	[sflag:s11] =	ssyncset.done $0x0  }
0x2c: {  	[sflag:s11] =	ssyncadd.s32 $0xFFFFFF80  }
0x2d: {  	[tilespmem:s13], [sflag:$0x1] =	stream.indirect.gather [hbm4b:s4+s12], $0x80, s2, s12, $0xb8;
	[tilespmem:$0x17D00] =	vst v63  }
0x2e: {  	_ =	swait.ge [sflag:s14], $0x4000  }
.Ltmp0:
0x2f: {  	[sflag:s14] =	ssyncset.done $0x0;
	(pc) =	sbr.rel @p0 .LBB2_2-.Ltmp0, $4  }
0x30: {  	[sflag:s14] =	ssyncadd.s32 $0xFFFFC000  }
0x31: {  	[spmem:s1] =	stream.indirect.scatter.add.f32 [tilespmem:s13], [sflag:$0x2], $0x80, s12, s12, $0xb8;
	[tilespmem:$0x17D00] =	vst v63  }
0x32: {  	_ =	swait.ge [sflag:s11], $0x4000  }
0x33: {  	s18 =	smov.u32 s21;
	[sflag:s11] =	ssyncset.done $0x0  }
0x34: {  	s18 =	sadd.s32 s17, s9;
	[sflag:s11] =	ssyncadd.s32 $0xFFFFC000  }
0x35: {  	[tilespmem:s2], [sflag:$0x2] =	stream.linear.gather [hbm4b:s18+s2], $0x80, $0x38;
	[tilespmem:$0x17D00] =	vst v63  }
0x36: {  	_ =	swait.ge [sflag:s11], $0x80  }
0x37: {  	[sflag:s11] =	ssyncset.done $0x0  }
0x38: {  	s31 =	sadd.s32 s17, s8;
	[sflag:s11] =	ssyncadd.s32 $0xFFFFFF80  }
0x39: {  	[tilespmem:s12], [sflag:$0x2] =	stream.linear.gather [hbm4b:s31+s2], $0x80, $0x38;
	[tilespmem:$0x17D00] =	vst v63  }
0x3a: {  	_ =	swait.ge [sflag:s11], $0x80  }
0x3b: {  	[sflag:s11] =	ssyncset.done $0x0  }
0x3c: {  	[sflag:s11] =	ssyncadd.s32 $0xFFFFFF80  }
0x3d: {  	[tilespmem:s13], [sflag:$0x1] =	stream.indirect.gather [hbm4b:s4+s12], $0x80, s2, s12, $0xb8;
	[tilespmem:$0x17D00] =	vst v63  }
0x3e: {  	_ =	swait.ge [sflag:s14], $0x4000  }
0x3f: {  	[sflag:s14] =	ssyncset.done $0x0  }
0x40: {  	[sflag:s14] =	ssyncadd.s32 $0xFFFFC000  }
0x41: {  	[spmem:s1] =	stream.indirect.scatter.add.f32 [tilespmem:s13], [sflag:$0x2], $0x80, s12, s12, $0xb8;
	[tilespmem:$0x17D00] =	vst v63  }
0x42: {  	_ =	swait.ge [sflag:s11], $0x4000  }
0x43: {  	s16 =	sadd.s32 $0x1, s16;
	[sflag:s11] =	ssyncset.done $0x0  }
0x44: {  	p0 =	sne.s32 s16, s7;
	[sflag:s11] =	ssyncadd.s32 $0xFFFFC000  }
.Ltmp1:
0x45: {  	[bflag:$0x0] =	sbarrier.arrive $0xFFFF;
	(pc) =	sbr.rel @p0 .LBB2_1-.Ltmp1, $4  }
0x46: {  	[hbm:s15], [sflag:s6] =	dma.local [spmem:s10], $0x2780  }
0x47: {  	_ =	swait.ge [sflag:s11], $0x2780  }
0x48: {  	[sflag:s11] =	ssyncset.done $0x0  }
0x49: {  	[sflag:s11] =	ssyncadd.s32 $0xFFFFD880  }
0x4a: {  	_ =	sfence.sel $0x180000  }
0x4b: {  	[bflag:$0x0] =	sbarrier.arrive $0xFFFF  }
0x4c: {  	p0 =	sne.s32 s3, $0x0;
	_ =	strace $0x90000053  }
0x4d: {  	s0 =	sadd.s32 @!p0 $0x100000, s0;
	[bflag:$0x2] =	sbarrier.arrive $0xFFFF  }
0x4e: {  	[sflag:s0] =	ssyncadd.tile.s32 @!p0 $0x1;
	_ =	shalt  }
.Lfunc_end2:
_tile_overlayer_lowered:
.L_overlay_start_2:
0x4f: {  	(tag) =	ssettag $0x2  }
0x50: {  	s0 =	rddreg [dreg:$0x0];
	s2 =	stileid.u32  }
0x51: {  	s1 =	rddreg [dreg:$0x1];
	p0 =	sne.s32 s2, $0x0  }
0x52: {  	s3 =	rddreg [dreg:$0x2];
	[bflag:$0x3] =	sbarrier.arrive $0xFFFF;
	s2 =	simm.s32 @!p0 $0x1C02  }
0x53: {  	[timem:s3], [sflag:s2] =	dma.local @!p0 [hbm:s0], s1  }
0x54: {  	s0 =	simm.s32 @!p0 $0x2  }
0x55: {  	_ =	swait.ge @!p0 [sflag:s0], s1  }
0x56: {  	s1 =	ssub.s32 @!p0 $0x0, s1;
	[sflag:s0] =	ssyncset.done @!p0 $0x0  }
0x57: {  	[sflag:s0] =	ssyncadd.s32 @!p0 s1  }
0x58: {  	[bflag:$0x3] =	sbarrier.arrive $0xFFFF  }
0x59: {  	_ =	shalt  }

</sc_bundles>
